<compile_context>
chip_gen: v7x
topology: tpu7x:2x2x1
jax: 0.10.2.dev20260603
libtpu: 0.0.44.dev20260713+nightly
codegen_flags: <defaults>
</compile_context>

<pallas_src>
import functools

import jax
import jax.numpy as jnp
from jax import lax
from jax.experimental import pallas as pl
from jax.experimental.pallas import tpu as pltpu
from jax.experimental.pallas import tpu_sc as plsc

N_ATOMS = 100000
N_ELEM = 100
HIDDEN = 128

NC = 2
NS = 16
NW = NC * NS

CHUNK = 128
NCHUNKS = (N_ATOMS + CHUNK - 1) // CHUNK
TAIL_ROWS = N_ATOMS - (NCHUNKS - 1) * CHUNK
MAX_CHUNKS_W = 25
IDX_STAGE = MAX_CHUNKS_W * CHUNK
IDX_STAGE_LAST = N_ATOMS - 758 * CHUNK

NBUF = 7
AHEAD = 3


def _mm_body(emb_ref, w_ref, p_ref):
    p = lax.dot_general(
        emb_ref[...], w_ref[...],
        (((1,), (1,)), ((), ())),
        preferred_element_type=jnp.float32,
    )
    p_ref[...] = jnp.concatenate(
        [p, jnp.zeros((HIDDEN - N_ELEM, HIDDEN), jnp.float32)], axis=0
    )


def _fused_table(embedding, W):
    return pl.pallas_call(
        _mm_body,
        out_shape=jax.ShapeDtypeStruct((HIDDEN, HIDDEN), jnp.float32),
    )(embedding, W)


_sc_mesh = plsc.VectorSubcoreMesh(core_axis_name="c", subcore_axis_name="s")


@functools.partial(
    pl.kernel,
    out_type=jax.ShapeDtypeStruct((N_ATOMS, HIDDEN), jnp.float32),
    mesh=_sc_mesh,
    scratch_types=[
        pltpu.VMEM((IDX_STAGE,), jnp.int32),
        pltpu.VMEM((NBUF, CHUNK, HIDDEN), jnp.float32),
        pltpu.VMEM_SHARED((HIDDEN, HIDDEN), jnp.float32),
        pltpu.SemaphoreType.DMA((NBUF,)),
        pltpu.SemaphoreType.DMA((NBUF,)),
    ],
)
def _sc_gather(table_hbm, x_hbm, out_hbm, idx_v, rows_v, table_sh, sem_g, sem_w):
    w = lax.axis_index("s") * NC + lax.axis_index("c")
    start = 24 * w + jnp.minimum(w, 14)
    nfull = 24 + (w < 14).astype(jnp.int32) - (w == NW - 1).astype(jnp.int32)

    @pl.when(lax.axis_index("s") == 0)
    def _():
        pltpu.sync_copy(table_hbm, table_sh)

    @pl.when(w < NW - 1)
    def _():
        pltpu.sync_copy(x_hbm.at[pl.ds(start * CHUNK, IDX_STAGE)], idx_v)

    @pl.when(w == NW - 1)
    def _():
        pltpu.sync_copy(
            x_hbm.at[pl.ds(start * CHUNK, IDX_STAGE_LAST)],
            idx_v.at[pl.ds(0, IDX_STAGE_LAST)],
        )

    plsc.subcore_barrier()

    def issue_gather(t):
        pltpu.async_copy(
            table_sh.at[idx_v.at[pl.ds(t * CHUNK, CHUNK)]],
            rows_v.at[lax.rem(t, NBUF)],
            sem_g.at[lax.rem(t, NBUF)],
        )

    issue_gather(0)
    issue_gather(1)
    issue_gather(2)

    def body(t, _):
        @pl.when(t + AHEAD < nfull)
        def _():
            b1 = lax.rem(t + AHEAD, NBUF)

            @pl.when(t + AHEAD >= NBUF)
            def _():
                pltpu.make_async_copy(table_hbm, rows_v.at[b1], sem_w.at[b1]).wait()

            issue_gather(t + AHEAD)

        b = lax.rem(t, NBUF)
        pltpu.make_async_copy(
            table_sh.at[idx_v.at[pl.ds(t * CHUNK, CHUNK)]],
            rows_v.at[b],
            sem_g.at[b],
        ).wait()
        pltpu.async_copy(
            rows_v.at[b], out_hbm.at[pl.ds((start + t) * CHUNK, CHUNK)], sem_w.at[b]
        )
        return 0

    lax.fori_loop(0, nfull, body, 0)

    pltpu.make_async_copy(table_hbm, rows_v.at[0], sem_w.at[0]).wait()
    pltpu.make_async_copy(table_hbm, rows_v.at[1], sem_w.at[1]).wait()
    pltpu.make_async_copy(table_hbm, rows_v.at[2], sem_w.at[2]).wait()
    pltpu.make_async_copy(table_hbm, rows_v.at[3], sem_w.at[3]).wait()
    pltpu.make_async_copy(table_hbm, rows_v.at[4], sem_w.at[4]).wait()
    pltpu.make_async_copy(table_hbm, rows_v.at[5], sem_w.at[5]).wait()
    pltpu.make_async_copy(table_hbm, rows_v.at[6], sem_w.at[6]).wait()

    @pl.when(w == NW - 1)
    def _tail():
        off = (NCHUNKS - 1 - 758) * CHUNK
        pltpu.async_copy(
            table_sh.at[idx_v.at[pl.ds(off, TAIL_ROWS)]],
            rows_v.at[0].at[pl.ds(0, TAIL_ROWS)],
            sem_g.at[0],
        ).wait()
        pltpu.sync_copy(
            rows_v.at[0].at[pl.ds(0, TAIL_ROWS)],
            out_hbm.at[pl.ds((NCHUNKS - 1) * CHUNK, TAIL_ROWS)],
        )


def kernel(x, embedding, W):
    table = _fused_table(embedding, W)
    return _sc_gather(table, x)

# --- scband reference (transcript-rebuilt; emitter-appended) ---
"""Pipeline reference for scband-atom-embedding-77223511982165 (READ-ONLY COPY).

The authoritative reference and input builder live on the scoring server;
editing this copy changes nothing except your own understanding.
"""

import jax, jax.numpy as jnp
import numpy as np

N_ATOMS = 100000
N_ELEM = 100
ELEM_FEAT = 92
HIDDEN = 128

def setup_inputs(seed: int = 0) -> dict:
    key = jax.random.key(seed)
    k1, k2, k3 = jax.random.split(key, 3)
    x = jax.random.randint(k1, (N_ATOMS,), 0, N_ELEM, dtype=jnp.int64 if jax.config.jax_enable_x64 else jnp.int32).astype(jnp.int32)
    # frozen element embedding table (loaded from config_path in the torch module)
    embedding = jax.random.normal(k2, (N_ELEM, ELEM_FEAT), dtype=jnp.float32)
    # nn.Linear(92, 128, bias=False): weight [out, in], kaiming-uniform-ish init
    bound = 1.0 / np.sqrt(ELEM_FEAT)
    W = jax.random.uniform(k3, (HIDDEN, ELEM_FEAT), dtype=jnp.float32, minval=-bound, maxval=bound)
    return {"x": x, "embedding": embedding, "W": W}

def reference(x, embedding, W):
    # F.embedding(x, self.embedding)
    e = jnp.take(embedding, x, axis=0)            # [N, 92] gather
    # self.lin(e): x @ W.T (bias=False)
    out = e @ W.T                                  # [N, 128]
    return out

if __name__ == "__main__":
    import jax
    _d = setup_inputs()
    print(jax.jit(kernel)(*tuple(_d.values())))

</pallas_src>

<mosaic_0001>
#map = affine_map<(d0, d1) -> (0, 0)>
#map1 = affine_map<(d0, d1) -> (0)>
module attributes {stable_mosaic.version = 14 : i64} {
  func.func @_sc_gather(%arg0: i32, %arg1: i32, %arg2: memref<128x128xf32, #tpu.memory_space<hbm>>, %arg3: memref<100000xi32, #tpu.memory_space<hbm>>, %arg4: memref<100000x128xf32, #tpu.memory_space<hbm>>, %arg5: memref<3200xi32, #tpu.memory_space<vmem>>, %arg6: memref<7x128x128xf32, #tpu.memory_space<vmem>>, %arg7: memref<128x128xf32, #tpu.memory_space<vmem_shared>>, %arg8: memref<7x!tpu.dma_semaphore, #tpu.memory_space<semaphore_mem>>, %arg9: memref<7x!tpu.dma_semaphore, #tpu.memory_space<semaphore_mem>>) attributes {dimension_semantics = [#tpu.dimension_semantics<core_parallel>, #tpu.dimension_semantics<subcore_parallel>], iteration_bounds = array<i64: 2, 16>, scalar_prefetch = 0 : i64, scratch_operands = 5 : i64, tpu.core_type = #tpu.core_type<sc_vector_subcore>, window_params = [{transform_indices = #map}, {transform_indices = #map1}, {transform_indices = #map}]} {
    %mul3A = arith.constant 2 : i32
    %mul3A_0 = arith.muli %arg1, %mul3A : i32
    %add3A = arith.addi %mul3A_0, %arg0 : i32
    %mul3A_1 = arith.constant 24 : i32
    %mul3A_2 = arith.muli %mul3A_1, %add3A : i32
    %min3A = arith.constant 14 : i32
    %min3A_3 = arith.minsi %add3A, %min3A : i32
    %add3A_4 = arith.addi %mul3A_2, %min3A_3 : i32
    %lt3A = arith.constant 14 : i32
    %lt3A_5 = arith.cmpi slt, %add3A, %lt3A : i32
    %convert_element_type3A = arith.extui %lt3A_5 : i1 to i32
    %add3A_6 = arith.constant 24 : i32
    %add3A_7 = arith.addi %add3A_6, %convert_element_type3A : i32
    %eq3A = arith.constant 31 : i32
    %eq3A_8 = arith.cmpi eq, %add3A, %eq3A : i32
    %convert_element_type3A_9 = arith.extui %eq3A_8 : i1 to i32
    %sub3A = arith.subi %add3A_7, %convert_element_type3A_9 : i32
    %eq3A_10 = arith.constant 0 : i32
    %eq3A_11 = arith.cmpi eq, %arg1, %eq3A_10 : i32
    %convert_element_type3A_12 = arith.extui %eq3A_11 : i1 to i32
    %cond3A = arith.constant 0 : i32
    %cond3A_13 = arith.cmpi ne, %convert_element_type3A_12, %cond3A : i32
    scf.if %cond3A_13 {
      "tpu.region"() ({
        %run_scoped3A = tpu.sem_alloc : memref<!tpu.dma_semaphore, #tpu.memory_space<semaphore_mem>>
        tpu.enqueue_dma source(%arg2 : memref<128x128xf32, #tpu.memory_space<hbm>>) target(%arg7 : memref<128x128xf32, #tpu.memory_space<vmem_shared>>) target_semaphore(%run_scoped3A : memref<!tpu.dma_semaphore, #tpu.memory_space<semaphore_mem>>)
        tpu.wait_dma2 semaphore(%run_scoped3A : memref<!tpu.dma_semaphore, #tpu.memory_space<semaphore_mem>>) src(%arg2 : memref<128x128xf32, #tpu.memory_space<hbm>>) dst(%arg7 : memref<128x128xf32, #tpu.memory_space<vmem_shared>>)
        tpu.yield
      }) : () -> ()
    } else {
    }
    %lt3A_14 = arith.constant 31 : i32
    %lt3A_15 = arith.cmpi slt, %add3A, %lt3A_14 : i32
    %convert_element_type3A_16 = arith.extui %lt3A_15 : i1 to i32
    %cond3A_17 = arith.constant 0 : i32
    %cond3A_18 = arith.cmpi ne, %convert_element_type3A_16, %cond3A_17 : i32
    scf.if %cond3A_18 {
      %mul3A_172 = arith.constant 128 : i32
      %mul3A_173 = arith.muli %add3A_4, %mul3A_172 : i32
      "tpu.region"() ({
        %run_scoped3A = tpu.sem_alloc : memref<!tpu.dma_semaphore, #tpu.memory_space<semaphore_mem>>
        %dma_start3A_174 = tpu.memref_slice %arg3[%mul3A_173] : memref<100000xi32, #tpu.memory_space<hbm>> -> memref<3200xi32, #tpu.memory_space<hbm>>
        %dma_start3A_175 = tpu.memref_slice %arg3[%mul3A_173] : memref<100000xi32, #tpu.memory_space<hbm>> -> memref<3200xi32, #tpu.memory_space<hbm>>
        tpu.enqueue_dma source(%dma_start3A_175 : memref<3200xi32, #tpu.memory_space<hbm>>) target(%arg5 : memref<3200xi32, #tpu.memory_space<vmem>>) target_semaphore(%run_scoped3A : memref<!tpu.dma_semaphore, #tpu.memory_space<semaphore_mem>>)
        %dma_wait3A_176 = tpu.memref_slice %arg3[%mul3A_173] : memref<100000xi32, #tpu.memory_space<hbm>> -> memref<3200xi32, #tpu.memory_space<hbm>>
        %dma_wait3A_177 = tpu.memref_slice %arg3[%mul3A_173] : memref<100000xi32, #tpu.memory_space<hbm>> -> memref<3200xi32, #tpu.memory_space<hbm>>
        tpu.wait_dma2 semaphore(%run_scoped3A : memref<!tpu.dma_semaphore, #tpu.memory_space<semaphore_mem>>) src(%dma_wait3A_177 : memref<3200xi32, #tpu.memory_space<hbm>>) dst(%arg5 : memref<3200xi32, #tpu.memory_space<vmem>>)
        tpu.yield
      }) : () -> ()
    } else {
    }
    %eq3A_19 = arith.constant 31 : i32
    %eq3A_20 = arith.cmpi eq, %add3A, %eq3A_19 : i32
    %convert_element_type3A_21 = arith.extui %eq3A_20 : i1 to i32
    %cond3A_22 = arith.constant 0 : i32
    %cond3A_23 = arith.cmpi ne, %convert_element_type3A_21, %cond3A_22 : i32
    scf.if %cond3A_23 {
      %mul3A_172 = arith.constant 128 : i32
      %mul3A_173 = arith.muli %add3A_4, %mul3A_172 : i32
      "tpu.region"() ({
        %run_scoped3A = tpu.sem_alloc : memref<!tpu.dma_semaphore, #tpu.memory_space<semaphore_mem>>
        %dma_start3A_174 = arith.constant 0 : i32
        %dma_start3A_175 = tpu.memref_slice %arg5[%dma_start3A_174] : memref<3200xi32, #tpu.memory_space<vmem>> -> memref<2976xi32, #tpu.memory_space<vmem>>
        %dma_start3A_176 = tpu.memref_slice %arg3[%mul3A_173] : memref<100000xi32, #tpu.memory_space<hbm>> -> memref<2976xi32, #tpu.memory_space<hbm>>
        %dma_start3A_177 = arith.constant 0 : i32
        %dma_start3A_178 = tpu.memref_slice %arg5[%dma_start3A_177] : memref<3200xi32, #tpu.memory_space<vmem>> -> memref<2976xi32, #tpu.memory_space<vmem>>
        %dma_start3A_179 = tpu.memref_slice %arg3[%mul3A_173] : memref<100000xi32, #tpu.memory_space<hbm>> -> memref<2976xi32, #tpu.memory_space<hbm>>
        tpu.enqueue_dma source(%dma_start3A_179 : memref<2976xi32, #tpu.memory_space<hbm>>) target(%dma_start3A_178 : memref<2976xi32, #tpu.memory_space<vmem>>) target_semaphore(%run_scoped3A : memref<!tpu.dma_semaphore, #tpu.memory_space<semaphore_mem>>)
        %dma_wait3A_180 = arith.constant 0 : i32
        %dma_wait3A_181 = tpu.memref_slice %arg5[%dma_wait3A_180] : memref<3200xi32, #tpu.memory_space<vmem>> -> memref<2976xi32, #tpu.memory_space<vmem>>
        %dma_wait3A_182 = tpu.memref_slice %arg3[%mul3A_173] : memref<100000xi32, #tpu.memory_space<hbm>> -> memref<2976xi32, #tpu.memory_space<hbm>>
        %dma_wait3A_183 = arith.constant 0 : i32
        %dma_wait3A_184 = tpu.memref_slice %arg5[%dma_wait3A_183] : memref<3200xi32, #tpu.memory_space<vmem>> -> memref<2976xi32, #tpu.memory_space<vmem>>
        %dma_wait3A_185 = tpu.memref_slice %arg3[%mul3A_173] : memref<100000xi32, #tpu.memory_space<hbm>> -> memref<2976xi32, #tpu.memory_space<hbm>>
        tpu.wait_dma2 semaphore(%run_scoped3A : memref<!tpu.dma_semaphore, #tpu.memory_space<semaphore_mem>>) src(%dma_wait3A_185 : memref<2976xi32, #tpu.memory_space<hbm>>) dst(%dma_wait3A_184 : memref<2976xi32, #tpu.memory_space<vmem>>)
        tpu.yield
      }) : () -> ()
    } else {
    }
    %barrier3A = arith.constant 0 : index
    tpu.barrier barrier_id(%barrier3A)
    %rem3A = arith.constant 0 : i32
    %rem3A_24 = arith.constant 7 : i32
    %rem3A_25 = arith.remsi %rem3A, %rem3A_24 : i32
    %rem3A_26 = arith.constant 0 : i32
    %rem3A_27 = arith.constant 7 : i32
    %rem3A_28 = arith.remsi %rem3A_26, %rem3A_27 : i32
    %dma_start3A = arith.constant 0 : i32
    %dma_start3A_29 = arith.constant 0 : i32
    %dma_start3A_30 = tpu.memref_slice %arg6[%rem3A_25, %dma_start3A, %dma_start3A_29] : memref<7x128x128xf32, #tpu.memory_space<vmem>> -> memref<1x128x128xf32, #tpu.memory_space<vmem>>
    %dma_start3A_31 = tpu.memref_squeeze %dma_start3A_30 : memref<1x128x128xf32, #tpu.memory_space<vmem>> -> memref<128x128xf32, #tpu.memory_space<vmem>>
    %dma_start3A_32 = arith.constant 0 : i32
    %dma_start3A_33 = tpu.memref_slice %arg5[%dma_start3A_32] : memref<3200xi32, #tpu.memory_space<vmem>> -> memref<128xi32, #tpu.memory_space<vmem>>
    %dma_start3A_34 = arith.constant 0 : i32
    %dma_start3A_35 = arith.constant 0 : i32
    %dma_start3A_36 = tpu.memref_slice %arg7[%dma_start3A_34, %dma_start3A_35] : memref<128x128xf32, #tpu.memory_space<vmem_shared>> -> memref<128x128xf32, #tpu.memory_space<vmem_shared>>
    %dma_start3A_37 = tpu.memref_slice %arg8[%rem3A_28] : memref<7x!tpu.dma_semaphore, #tpu.memory_space<semaphore_mem>> -> memref<1x!tpu.dma_semaphore, #tpu.memory_space<semaphore_mem>>
    %dma_start3A_38 = tpu.memref_squeeze %dma_start3A_37 : memref<1x!tpu.dma_semaphore, #tpu.memory_space<semaphore_mem>> -> memref<!tpu.dma_semaphore, #tpu.memory_space<semaphore_mem>>
    tpu.enqueue_indirect_dma source(%dma_start3A_36 : memref<128x128xf32, #tpu.memory_space<vmem_shared>>) target(%dma_start3A_31 : memref<128x128xf32, #tpu.memory_space<vmem>>) offsets(%dma_start3A_33 : memref<128xi32, #tpu.memory_space<vmem>>) semaphore(%dma_start3A_38 : memref<!tpu.dma_semaphore, #tpu.memory_space<semaphore_mem>>)
    %rem3A_39 = arith.constant 1 : i32
    %rem3A_40 = arith.constant 7 : i32
    %rem3A_41 = arith.remsi %rem3A_39, %rem3A_40 : i32
    %rem3A_42 = arith.constant 1 : i32
    %rem3A_43 = arith.constant 7 : i32
    %rem3A_44 = arith.remsi %rem3A_42, %rem3A_43 : i32
    %dma_start3A_45 = arith.constant 0 : i32
    %dma_start3A_46 = arith.constant 0 : i32
    %dma_start3A_47 = tpu.memref_slice %arg6[%rem3A_41, %dma_start3A_45, %dma_start3A_46] : memref<7x128x128xf32, #tpu.memory_space<vmem>> -> memref<1x128x128xf32, #tpu.memory_space<vmem>>
    %dma_start3A_48 = tpu.memref_squeeze %dma_start3A_47 : memref<1x128x128xf32, #tpu.memory_space<vmem>> -> memref<128x128xf32, #tpu.memory_space<vmem>>
    %dma_start3A_49 = arith.constant 128 : i32
    %dma_start3A_50 = tpu.memref_slice %arg5[%dma_start3A_49] : memref<3200xi32, #tpu.memory_space<vmem>> -> memref<128xi32, #tpu.memory_space<vmem>>
    %dma_start3A_51 = arith.constant 0 : i32
    %dma_start3A_52 = arith.constant 0 : i32
    %dma_start3A_53 = tpu.memref_slice %arg7[%dma_start3A_51, %dma_start3A_52] : memref<128x128xf32, #tpu.memory_space<vmem_shared>> -> memref<128x128xf32, #tpu.memory_space<vmem_shared>>
    %dma_start3A_54 = tpu.memref_slice %arg8[%rem3A_44] : memref<7x!tpu.dma_semaphore, #tpu.memory_space<semaphore_mem>> -> memref<1x!tpu.dma_semaphore, #tpu.memory_space<semaphore_mem>>
    %dma_start3A_55 = tpu.memref_squeeze %dma_start3A_54 : memref<1x!tpu.dma_semaphore, #tpu.memory_space<semaphore_mem>> -> memref<!tpu.dma_semaphore, #tpu.memory_space<semaphore_mem>>
    tpu.enqueue_indirect_dma source(%dma_start3A_53 : memref<128x128xf32, #tpu.memory_space<vmem_shared>>) target(%dma_start3A_48 : memref<128x128xf32, #tpu.memory_space<vmem>>) offsets(%dma_start3A_50 : memref<128xi32, #tpu.memory_space<vmem>>) semaphore(%dma_start3A_55 : memref<!tpu.dma_semaphore, #tpu.memory_space<semaphore_mem>>)
    %rem3A_56 = arith.constant 2 : i32
    %rem3A_57 = arith.constant 7 : i32
    %rem3A_58 = arith.remsi %rem3A_56, %rem3A_57 : i32
    %rem3A_59 = arith.constant 2 : i32
    %rem3A_60 = arith.constant 7 : i32
    %rem3A_61 = arith.remsi %rem3A_59, %rem3A_60 : i32
    %dma_start3A_62 = arith.constant 0 : i32
    %dma_start3A_63 = arith.constant 0 : i32
    %dma_start3A_64 = tpu.memref_slice %arg6[%rem3A_58, %dma_start3A_62, %dma_start3A_63] : memref<7x128x128xf32, #tpu.memory_space<vmem>> -> memref<1x128x128xf32, #tpu.memory_space<vmem>>
    %dma_start3A_65 = tpu.memref_squeeze %dma_start3A_64 : memref<1x128x128xf32, #tpu.memory_space<vmem>> -> memref<128x128xf32, #tpu.memory_space<vmem>>
    %dma_start3A_66 = arith.constant 256 : i32
    %dma_start3A_67 = tpu.memref_slice %arg5[%dma_start3A_66] : memref<3200xi32, #tpu.memory_space<vmem>> -> memref<128xi32, #tpu.memory_space<vmem>>
    %dma_start3A_68 = arith.constant 0 : i32
    %dma_start3A_69 = arith.constant 0 : i32
    %dma_start3A_70 = tpu.memref_slice %arg7[%dma_start3A_68, %dma_start3A_69] : memref<128x128xf32, #tpu.memory_space<vmem_shared>> -> memref<128x128xf32, #tpu.memory_space<vmem_shared>>
    %dma_start3A_71 = tpu.memref_slice %arg8[%rem3A_61] : memref<7x!tpu.dma_semaphore, #tpu.memory_space<semaphore_mem>> -> memref<1x!tpu.dma_semaphore, #tpu.memory_space<semaphore_mem>>
    %dma_start3A_72 = tpu.memref_squeeze %dma_start3A_71 : memref<1x!tpu.dma_semaphore, #tpu.memory_space<semaphore_mem>> -> memref<!tpu.dma_semaphore, #tpu.memory_space<semaphore_mem>>
    tpu.enqueue_indirect_dma source(%dma_start3A_70 : memref<128x128xf32, #tpu.memory_space<vmem_shared>>) target(%dma_start3A_65 : memref<128x128xf32, #tpu.memory_space<vmem>>) offsets(%dma_start3A_67 : memref<128xi32, #tpu.memory_space<vmem>>) semaphore(%dma_start3A_72 : memref<!tpu.dma_semaphore, #tpu.memory_space<semaphore_mem>>)
    %while3A = arith.constant 0 : i32
    %while3A_73 = arith.constant 0 : i32
    %while3A_74 = arith.subi %sub3A, %while3A : i32
    %while3A_75 = arith.addi %while3A, %while3A_74 : i32
    %while3A_76 = arith.constant 1 : i32
    %while3A_77 = arith.divsi %while3A_74, %while3A_76 : i32
    %while3A_78 = arith.muli %while3A_77, %while3A_76 : i32
    %while3A_79 = arith.addi %while3A, %while3A_78 : i32
    %while3A_80 = arith.constant 1 : i32
    %while3A_81 = scf.for %while3A_172 = %while3A to %while3A_79 step %while3A_80 iter_args(%while3A_173 = %while3A_73) -> (i32)  : i32 {
      %add3A_174 = arith.constant 3 : i32
      %add3A_175 = arith.addi %while3A_172, %add3A_174 : i32
      %lt3A_176 = arith.cmpi slt, %add3A_175, %sub3A : i32
      %convert_element_type3A_177 = arith.extui %lt3A_176 : i1 to i32
      %cond3A_178 = arith.constant 0 : i32
      %cond3A_179 = arith.cmpi ne, %convert_element_type3A_177, %cond3A_178 : i32
      scf.if %cond3A_179 {
        %add3A_212 = arith.constant 3 : i32
        %add3A_213 = arith.addi %while3A_172, %add3A_212 : i32
        %rem3A_214 = arith.constant 7 : i32
        %rem3A_215 = arith.remsi %add3A_213, %rem3A_214 : i32
        %add3A_216 = arith.constant 3 : i32
        %add3A_217 = arith.addi %while3A_172, %add3A_216 : i32
        %ge3A = arith.constant 7 : i32
        %ge3A_218 = arith.cmpi sge, %add3A_217, %ge3A : i32
        %convert_element_type3A_219 = arith.extui %ge3A_218 : i1 to i32
        %cond3A_220 = arith.constant 0 : i32
        %cond3A_221 = arith.cmpi ne, %convert_element_type3A_219, %cond3A_220 : i32
        scf.if %cond3A_221 {
          %dma_wait3A_240 = arith.constant 0 : i32
          %dma_wait3A_241 = arith.constant 0 : i32
          %dma_wait3A_242 = tpu.memref_slice %arg6[%rem3A_215, %dma_wait3A_240, %dma_wait3A_241] : memref<7x128x128xf32, #tpu.memory_space<vmem>> -> memref<1x128x128xf32, #tpu.memory_space<vmem>>
          %dma_wait3A_243 = tpu.memref_squeeze %dma_wait3A_242 : memref<1x128x128xf32, #tpu.memory_space<vmem>> -> memref<128x128xf32, #tpu.memory_space<vmem>>
          %dma_wait3A_244 = tpu.memref_slice %arg9[%rem3A_215] : memref<7x!tpu.dma_semaphore, #tpu.memory_space<semaphore_mem>> -> memref<1x!tpu.dma_semaphore, #tpu.memory_space<semaphore_mem>>
          %dma_wait3A_245 = tpu.memref_squeeze %dma_wait3A_244 : memref<1x!tpu.dma_semaphore, #tpu.memory_space<semaphore_mem>> -> memref<!tpu.dma_semaphore, #tpu.memory_space<semaphore_mem>>
          %dma_wait3A_246 = arith.constant 0 : i32
          %dma_wait3A_247 = arith.constant 0 : i32
          %dma_wait3A_248 = tpu.memref_slice %arg6[%rem3A_215, %dma_wait3A_246, %dma_wait3A_247] : memref<7x128x128xf32, #tpu.memory_space<vmem>> -> memref<1x128x128xf32, #tpu.memory_space<vmem>>
          %dma_wait3A_249 = tpu.memref_squeeze %dma_wait3A_248 : memref<1x128x128xf32, #tpu.memory_space<vmem>> -> memref<128x128xf32, #tpu.memory_space<vmem>>
          tpu.wait_dma2 semaphore(%dma_wait3A_245 : memref<!tpu.dma_semaphore, #tpu.memory_space<semaphore_mem>>) src(%arg2 : memref<128x128xf32, #tpu.memory_space<hbm>>) dst(%dma_wait3A_249 : memref<128x128xf32, #tpu.memory_space<vmem>>)
        } else {
        }
        %add3A_222 = arith.constant 3 : i32
        %add3A_223 = arith.addi %while3A_172, %add3A_222 : i32
        %mul3A_224 = arith.constant 128 : i32
        %mul3A_225 = arith.muli %add3A_223, %mul3A_224 : i32
        %rem3A_226 = arith.constant 7 : i32
        %rem3A_227 = arith.remsi %add3A_223, %rem3A_226 : i32
        %rem3A_228 = arith.constant 7 : i32
        %rem3A_229 = arith.remsi %add3A_223, %rem3A_228 : i32
        %dma_start3A_230 = arith.constant 0 : i32
        %dma_start3A_231 = arith.constant 0 : i32
        %dma_start3A_232 = tpu.memref_slice %arg6[%rem3A_227, %dma_start3A_230, %dma_start3A_231] : memref<7x128x128xf32, #tpu.memory_space<vmem>> -> memref<1x128x128xf32, #tpu.memory_space<vmem>>
        %dma_start3A_233 = tpu.memref_squeeze %dma_start3A_232 : memref<1x128x128xf32, #tpu.memory_space<vmem>> -> memref<128x128xf32, #tpu.memory_space<vmem>>
        %dma_start3A_234 = tpu.memref_slice %arg5[%mul3A_225] : memref<3200xi32, #tpu.memory_space<vmem>> -> memref<128xi32, #tpu.memory_space<vmem>>
        %dma_start3A_235 = arith.constant 0 : i32
        %dma_start3A_236 = arith.constant 0 : i32
        %dma_start3A_237 = tpu.memref_slice %arg7[%dma_start3A_235, %dma_start3A_236] : memref<128x128xf32, #tpu.memory_space<vmem_shared>> -> memref<128x128xf32, #tpu.memory_space<vmem_shared>>
        %dma_start3A_238 = tpu.memref_slice %arg8[%rem3A_229] : memref<7x!tpu.dma_semaphore, #tpu.memory_space<semaphore_mem>> -> memref<1x!tpu.dma_semaphore, #tpu.memory_space<semaphore_mem>>
        %dma_start3A_239 = tpu.memref_squeeze %dma_start3A_238 : memref<1x!tpu.dma_semaphore, #tpu.memory_space<semaphore_mem>> -> memref<!tpu.dma_semaphore, #tpu.memory_space<semaphore_mem>>
        tpu.enqueue_indirect_dma source(%dma_start3A_237 : memref<128x128xf32, #tpu.memory_space<vmem_shared>>) target(%dma_start3A_233 : memref<128x128xf32, #tpu.memory_space<vmem>>) offsets(%dma_start3A_234 : memref<128xi32, #tpu.memory_space<vmem>>) semaphore(%dma_start3A_239 : memref<!tpu.dma_semaphore, #tpu.memory_space<semaphore_mem>>)
      } else {
      }
      %rem3A_180 = arith.constant 7 : i32
      %rem3A_181 = arith.remsi %while3A_172, %rem3A_180 : i32
      %mul3A_182 = arith.constant 128 : i32
      %mul3A_183 = arith.muli %while3A_172, %mul3A_182 : i32
      %dma_wait3A_184 = arith.constant 0 : i32
      %dma_wait3A_185 = arith.constant 0 : i32
      %dma_wait3A_186 = tpu.memref_slice %arg6[%rem3A_181, %dma_wait3A_184, %dma_wait3A_185] : memref<7x128x128xf32, #tpu.memory_space<vmem>> -> memref<1x128x128xf32, #tpu.memory_space<vmem>>
      %dma_wait3A_187 = tpu.memref_squeeze %dma_wait3A_186 : memref<1x128x128xf32, #tpu.memory_space<vmem>> -> memref<128x128xf32, #tpu.memory_space<vmem>>
      %dma_wait3A_188 = tpu.memref_slice %arg5[%mul3A_183] : memref<3200xi32, #tpu.memory_space<vmem>> -> memref<128xi32, #tpu.memory_space<vmem>>
      %dma_wait3A_189 = arith.constant 0 : i32
      %dma_wait3A_190 = arith.constant 0 : i32
      %dma_wait3A_191 = tpu.memref_slice %arg7[%dma_wait3A_189, %dma_wait3A_190] : memref<128x128xf32, #tpu.memory_space<vmem_shared>> -> memref<128x128xf32, #tpu.memory_space<vmem_shared>>
      %dma_wait3A_192 = tpu.memref_slice %arg8[%rem3A_181] : memref<7x!tpu.dma_semaphore, #tpu.memory_space<semaphore_mem>> -> memref<1x!tpu.dma_semaphore, #tpu.memory_space<semaphore_mem>>
      %dma_wait3A_193 = tpu.memref_squeeze %dma_wait3A_192 : memref<1x!tpu.dma_semaphore, #tpu.memory_space<semaphore_mem>> -> memref<!tpu.dma_semaphore, #tpu.memory_space<semaphore_mem>>
      tpu.wait_indirect_dma semaphore(%dma_wait3A_193 : memref<!tpu.dma_semaphore, #tpu.memory_space<semaphore_mem>>) src(%dma_wait3A_191 : memref<128x128xf32, #tpu.memory_space<vmem_shared>>) dst(%dma_wait3A_187 : memref<128x128xf32, #tpu.memory_space<vmem>>)
      %add3A_194 = arith.addi %add3A_4, %while3A_172 : i32
      %mul3A_195 = arith.constant 128 : i32
      %mul3A_196 = arith.muli %add3A_194, %mul3A_195 : i32
      %dma_start3A_197 = arith.constant 0 : i32
      %dma_start3A_198 = arith.constant 0 : i32
      %dma_start3A_199 = tpu.memref_slice %arg6[%rem3A_181, %dma_start3A_197, %dma_start3A_198] : memref<7x128x128xf32, #tpu.memory_space<vmem>> -> memref<1x128x128xf32, #tpu.memory_space<vmem>>
      %dma_start3A_200 = tpu.memref_squeeze %dma_start3A_199 : memref<1x128x128xf32, #tpu.memory_space<vmem>> -> memref<128x128xf32, #tpu.memory_space<vmem>>
      %dma_start3A_201 = arith.constant 0 : i32
      %dma_start3A_202 = tpu.memref_slice %arg4[%mul3A_196, %dma_start3A_201] : memref<100000x128xf32, #tpu.memory_space<hbm>> -> memref<128x128xf32, #tpu.memory_space<hbm>>
      %dma_start3A_203 = tpu.memref_slice %arg9[%rem3A_181] : memref<7x!tpu.dma_semaphore, #tpu.memory_space<semaphore_mem>> -> memref<1x!tpu.dma_semaphore, #tpu.memory_space<semaphore_mem>>
      %dma_start3A_204 = tpu.memref_squeeze %dma_start3A_203 : memref<1x!tpu.dma_semaphore, #tpu.memory_space<semaphore_mem>> -> memref<!tpu.dma_semaphore, #tpu.memory_space<semaphore_mem>>
      %dma_start3A_205 = arith.constant 0 : i32
      %dma_start3A_206 = tpu.memref_slice %arg4[%mul3A_196, %dma_start3A_205] : memref<100000x128xf32, #tpu.memory_space<hbm>> -> memref<128x128xf32, #tpu.memory_space<hbm>>
      %dma_start3A_207 = arith.constant 0 : i32
      %dma_start3A_208 = arith.constant 0 : i32
      %dma_start3A_209 = tpu.memref_slice %arg6[%rem3A_181, %dma_start3A_207, %dma_start3A_208] : memref<7x128x128xf32, #tpu.memory_space<vmem>> -> memref<1x128x128xf32, #tpu.memory_space<vmem>>
      %dma_start3A_210 = tpu.memref_squeeze %dma_start3A_209 : memref<1x128x128xf32, #tpu.memory_space<vmem>> -> memref<128x128xf32, #tpu.memory_space<vmem>>
      tpu.enqueue_dma source(%dma_start3A_210 : memref<128x128xf32, #tpu.memory_space<vmem>>) target(%dma_start3A_206 : memref<128x128xf32, #tpu.memory_space<hbm>>) target_semaphore(%dma_start3A_204 : memref<!tpu.dma_semaphore, #tpu.memory_space<semaphore_mem>>)
      %while3A_211 = arith.constant 0 : i32
      scf.yield %while3A_211 : i32
    }
    %while3A_82 = arith.constant 1 : i32
    %while3A_83 = scf.for %while3A_172 = %while3A_79 to %while3A_75 step %while3A_82 iter_args(%while3A_173 = %while3A_81) -> (i32)  : i32 {
      %add3A_174 = arith.constant 3 : i32
      %add3A_175 = arith.addi %while3A_172, %add3A_174 : i32
      %lt3A_176 = arith.cmpi slt, %add3A_175, %sub3A : i32
      %convert_element_type3A_177 = arith.extui %lt3A_176 : i1 to i32
      %cond3A_178 = arith.constant 0 : i32
      %cond3A_179 = arith.cmpi ne, %convert_element_type3A_177, %cond3A_178 : i32
      scf.if %cond3A_179 {
        %add3A_212 = arith.constant 3 : i32
        %add3A_213 = arith.addi %while3A_172, %add3A_212 : i32
        %rem3A_214 = arith.constant 7 : i32
        %rem3A_215 = arith.remsi %add3A_213, %rem3A_214 : i32
        %add3A_216 = arith.constant 3 : i32
        %add3A_217 = arith.addi %while3A_172, %add3A_216 : i32
        %ge3A = arith.constant 7 : i32
        %ge3A_218 = arith.cmpi sge, %add3A_217, %ge3A : i32
        %convert_element_type3A_219 = arith.extui %ge3A_218 : i1 to i32
        %cond3A_220 = arith.constant 0 : i32
        %cond3A_221 = arith.cmpi ne, %convert_element_type3A_219, %cond3A_220 : i32
        scf.if %cond3A_221 {
          %dma_wait3A_240 = arith.constant 0 : i32
          %dma_wait3A_241 = arith.constant 0 : i32
          %dma_wait3A_242 = tpu.memref_slice %arg6[%rem3A_215, %dma_wait3A_240, %dma_wait3A_241] : memref<7x128x128xf32, #tpu.memory_space<vmem>> -> memref<1x128x128xf32, #tpu.memory_space<vmem>>
          %dma_wait3A_243 = tpu.memref_squeeze %dma_wait3A_242 : memref<1x128x128xf32, #tpu.memory_space<vmem>> -> memref<128x128xf32, #tpu.memory_space<vmem>>
          %dma_wait3A_244 = tpu.memref_slice %arg9[%rem3A_215] : memref<7x!tpu.dma_semaphore, #tpu.memory_space<semaphore_mem>> -> memref<1x!tpu.dma_semaphore, #tpu.memory_space<semaphore_mem>>
          %dma_wait3A_245 = tpu.memref_squeeze %dma_wait3A_244 : memref<1x!tpu.dma_semaphore, #tpu.memory_space<semaphore_mem>> -> memref<!tpu.dma_semaphore, #tpu.memory_space<semaphore_mem>>
          %dma_wait3A_246 = arith.constant 0 : i32
          %dma_wait3A_247 = arith.constant 0 : i32
          %dma_wait3A_248 = tpu.memref_slice %arg6[%rem3A_215, %dma_wait3A_246, %dma_wait3A_247] : memref<7x128x128xf32, #tpu.memory_space<vmem>> -> memref<1x128x128xf32, #tpu.memory_space<vmem>>
          %dma_wait3A_249 = tpu.memref_squeeze %dma_wait3A_248 : memref<1x128x128xf32, #tpu.memory_space<vmem>> -> memref<128x128xf32, #tpu.memory_space<vmem>>
          tpu.wait_dma2 semaphore(%dma_wait3A_245 : memref<!tpu.dma_semaphore, #tpu.memory_space<semaphore_mem>>) src(%arg2 : memref<128x128xf32, #tpu.memory_space<hbm>>) dst(%dma_wait3A_249 : memref<128x128xf32, #tpu.memory_space<vmem>>)
        } else {
        }
        %add3A_222 = arith.constant 3 : i32
        %add3A_223 = arith.addi %while3A_172, %add3A_222 : i32
        %mul3A_224 = arith.constant 128 : i32
        %mul3A_225 = arith.muli %add3A_223, %mul3A_224 : i32
        %rem3A_226 = arith.constant 7 : i32
        %rem3A_227 = arith.remsi %add3A_223, %rem3A_226 : i32
        %rem3A_228 = arith.constant 7 : i32
        %rem3A_229 = arith.remsi %add3A_223, %rem3A_228 : i32
        %dma_start3A_230 = arith.constant 0 : i32
        %dma_start3A_231 = arith.constant 0 : i32
        %dma_start3A_232 = tpu.memref_slice %arg6[%rem3A_227, %dma_start3A_230, %dma_start3A_231] : memref<7x128x128xf32, #tpu.memory_space<vmem>> -> memref<1x128x128xf32, #tpu.memory_space<vmem>>
        %dma_start3A_233 = tpu.memref_squeeze %dma_start3A_232 : memref<1x128x128xf32, #tpu.memory_space<vmem>> -> memref<128x128xf32, #tpu.memory_space<vmem>>
        %dma_start3A_234 = tpu.memref_slice %arg5[%mul3A_225] : memref<3200xi32, #tpu.memory_space<vmem>> -> memref<128xi32, #tpu.memory_space<vmem>>
        %dma_start3A_235 = arith.constant 0 : i32
        %dma_start3A_236 = arith.constant 0 : i32
        %dma_start3A_237 = tpu.memref_slice %arg7[%dma_start3A_235, %dma_start3A_236] : memref<128x128xf32, #tpu.memory_space<vmem_shared>> -> memref<128x128xf32, #tpu.memory_space<vmem_shared>>
        %dma_start3A_238 = tpu.memref_slice %arg8[%rem3A_229] : memref<7x!tpu.dma_semaphore, #tpu.memory_space<semaphore_mem>> -> memref<1x!tpu.dma_semaphore, #tpu.memory_space<semaphore_mem>>
        %dma_start3A_239 = tpu.memref_squeeze %dma_start3A_238 : memref<1x!tpu.dma_semaphore, #tpu.memory_space<semaphore_mem>> -> memref<!tpu.dma_semaphore, #tpu.memory_space<semaphore_mem>>
        tpu.enqueue_indirect_dma source(%dma_start3A_237 : memref<128x128xf32, #tpu.memory_space<vmem_shared>>) target(%dma_start3A_233 : memref<128x128xf32, #tpu.memory_space<vmem>>) offsets(%dma_start3A_234 : memref<128xi32, #tpu.memory_space<vmem>>) semaphore(%dma_start3A_239 : memref<!tpu.dma_semaphore, #tpu.memory_space<semaphore_mem>>)
      } else {
      }
      %rem3A_180 = arith.constant 7 : i32
      %rem3A_181 = arith.remsi %while3A_172, %rem3A_180 : i32
      %mul3A_182 = arith.constant 128 : i32
      %mul3A_183 = arith.muli %while3A_172, %mul3A_182 : i32
      %dma_wait3A_184 = arith.constant 0 : i32
      %dma_wait3A_185 = arith.constant 0 : i32
      %dma_wait3A_186 = tpu.memref_slice %arg6[%rem3A_181, %dma_wait3A_184, %dma_wait3A_185] : memref<7x128x128xf32, #tpu.memory_space<vmem>> -> memref<1x128x128xf32, #tpu.memory_space<vmem>>
      %dma_wait3A_187 = tpu.memref_squeeze %dma_wait3A_186 : memref<1x128x128xf32, #tpu.memory_space<vmem>> -> memref<128x128xf32, #tpu.memory_space<vmem>>
      %dma_wait3A_188 = tpu.memref_slice %arg5[%mul3A_183] : memref<3200xi32, #tpu.memory_space<vmem>> -> memref<128xi32, #tpu.memory_space<vmem>>
      %dma_wait3A_189 = arith.constant 0 : i32
      %dma_wait3A_190 = arith.constant 0 : i32
      %dma_wait3A_191 = tpu.memref_slice %arg7[%dma_wait3A_189, %dma_wait3A_190] : memref<128x128xf32, #tpu.memory_space<vmem_shared>> -> memref<128x128xf32, #tpu.memory_space<vmem_shared>>
      %dma_wait3A_192 = tpu.memref_slice %arg8[%rem3A_181] : memref<7x!tpu.dma_semaphore, #tpu.memory_space<semaphore_mem>> -> memref<1x!tpu.dma_semaphore, #tpu.memory_space<semaphore_mem>>
      %dma_wait3A_193 = tpu.memref_squeeze %dma_wait3A_192 : memref<1x!tpu.dma_semaphore, #tpu.memory_space<semaphore_mem>> -> memref<!tpu.dma_semaphore, #tpu.memory_space<semaphore_mem>>
      tpu.wait_indirect_dma semaphore(%dma_wait3A_193 : memref<!tpu.dma_semaphore, #tpu.memory_space<semaphore_mem>>) src(%dma_wait3A_191 : memref<128x128xf32, #tpu.memory_space<vmem_shared>>) dst(%dma_wait3A_187 : memref<128x128xf32, #tpu.memory_space<vmem>>)
      %add3A_194 = arith.addi %add3A_4, %while3A_172 : i32
      %mul3A_195 = arith.constant 128 : i32
      %mul3A_196 = arith.muli %add3A_194, %mul3A_195 : i32
      %dma_start3A_197 = arith.constant 0 : i32
      %dma_start3A_198 = arith.constant 0 : i32
      %dma_start3A_199 = tpu.memref_slice %arg6[%rem3A_181, %dma_start3A_197, %dma_start3A_198] : memref<7x128x128xf32, #tpu.memory_space<vmem>> -> memref<1x128x128xf32, #tpu.memory_space<vmem>>
      %dma_start3A_200 = tpu.memref_squeeze %dma_start3A_199 : memref<1x128x128xf32, #tpu.memory_space<vmem>> -> memref<128x128xf32, #tpu.memory_space<vmem>>
      %dma_start3A_201 = arith.constant 0 : i32
      %dma_start3A_202 = tpu.memref_slice %arg4[%mul3A_196, %dma_start3A_201] : memref<100000x128xf32, #tpu.memory_space<hbm>> -> memref<128x128xf32, #tpu.memory_space<hbm>>
      %dma_start3A_203 = tpu.memref_slice %arg9[%rem3A_181] : memref<7x!tpu.dma_semaphore, #tpu.memory_space<semaphore_mem>> -> memref<1x!tpu.dma_semaphore, #tpu.memory_space<semaphore_mem>>
      %dma_start3A_204 = tpu.memref_squeeze %dma_start3A_203 : memref<1x!tpu.dma_semaphore, #tpu.memory_space<semaphore_mem>> -> memref<!tpu.dma_semaphore, #tpu.memory_space<semaphore_mem>>
      %dma_start3A_205 = arith.constant 0 : i32
      %dma_start3A_206 = tpu.memref_slice %arg4[%mul3A_196, %dma_start3A_205] : memref<100000x128xf32, #tpu.memory_space<hbm>> -> memref<128x128xf32, #tpu.memory_space<hbm>>
      %dma_start3A_207 = arith.constant 0 : i32
      %dma_start3A_208 = arith.constant 0 : i32
      %dma_start3A_209 = tpu.memref_slice %arg6[%rem3A_181, %dma_start3A_207, %dma_start3A_208] : memref<7x128x128xf32, #tpu.memory_space<vmem>> -> memref<1x128x128xf32, #tpu.memory_space<vmem>>
      %dma_start3A_210 = tpu.memref_squeeze %dma_start3A_209 : memref<1x128x128xf32, #tpu.memory_space<vmem>> -> memref<128x128xf32, #tpu.memory_space<vmem>>
      tpu.enqueue_dma source(%dma_start3A_210 : memref<128x128xf32, #tpu.memory_space<vmem>>) target(%dma_start3A_206 : memref<128x128xf32, #tpu.memory_space<hbm>>) target_semaphore(%dma_start3A_204 : memref<!tpu.dma_semaphore, #tpu.memory_space<semaphore_mem>>)
      %while3A_211 = arith.constant 0 : i32
      scf.yield %while3A_211 : i32
    }
    %dma_wait3A = arith.constant 0 : i32
    %dma_wait3A_84 = arith.constant 0 : i32
    %dma_wait3A_85 = arith.constant 0 : i32
    %dma_wait3A_86 = arith.constant 0 : i32
    %dma_wait3A_87 = tpu.memref_slice %arg6[%dma_wait3A, %dma_wait3A_85, %dma_wait3A_86] : memref<7x128x128xf32, #tpu.memory_space<vmem>> -> memref<1x128x128xf32, #tpu.memory_space<vmem>>
    %dma_wait3A_88 = tpu.memref_squeeze %dma_wait3A_87 : memref<1x128x128xf32, #tpu.memory_space<vmem>> -> memref<128x128xf32, #tpu.memory_space<vmem>>
    %dma_wait3A_89 = tpu.memref_slice %arg9[%dma_wait3A_84] : memref<7x!tpu.dma_semaphore, #tpu.memory_space<semaphore_mem>> -> memref<1x!tpu.dma_semaphore, #tpu.memory_space<semaphore_mem>>
    %dma_wait3A_90 = tpu.memref_squeeze %dma_wait3A_89 : memref<1x!tpu.dma_semaphore, #tpu.memory_space<semaphore_mem>> -> memref<!tpu.dma_semaphore, #tpu.memory_space<semaphore_mem>>
    %dma_wait3A_91 = arith.constant 0 : i32
    %dma_wait3A_92 = arith.constant 0 : i32
    %dma_wait3A_93 = tpu.memref_slice %arg6[%dma_wait3A, %dma_wait3A_91, %dma_wait3A_92] : memref<7x128x128xf32, #tpu.memory_space<vmem>> -> memref<1x128x128xf32, #tpu.memory_space<vmem>>
    %dma_wait3A_94 = tpu.memref_squeeze %dma_wait3A_93 : memref<1x128x128xf32, #tpu.memory_space<vmem>> -> memref<128x128xf32, #tpu.memory_space<vmem>>
    tpu.wait_dma2 semaphore(%dma_wait3A_90 : memref<!tpu.dma_semaphore, #tpu.memory_space<semaphore_mem>>) src(%arg2 : memref<128x128xf32, #tpu.memory_space<hbm>>) dst(%dma_wait3A_94 : memref<128x128xf32, #tpu.memory_space<vmem>>)
    %dma_wait3A_95 = arith.constant 1 : i32
    %dma_wait3A_96 = arith.constant 1 : i32
    %dma_wait3A_97 = arith.constant 0 : i32
    %dma_wait3A_98 = arith.constant 0 : i32
    %dma_wait3A_99 = tpu.memref_slice %arg6[%dma_wait3A_95, %dma_wait3A_97, %dma_wait3A_98] : memref<7x128x128xf32, #tpu.memory_space<vmem>> -> memref<1x128x128xf32, #tpu.memory_space<vmem>>
    %dma_wait3A_100 = tpu.memref_squeeze %dma_wait3A_99 : memref<1x128x128xf32, #tpu.memory_space<vmem>> -> memref<128x128xf32, #tpu.memory_space<vmem>>
    %dma_wait3A_101 = tpu.memref_slice %arg9[%dma_wait3A_96] : memref<7x!tpu.dma_semaphore, #tpu.memory_space<semaphore_mem>> -> memref<1x!tpu.dma_semaphore, #tpu.memory_space<semaphore_mem>>
    %dma_wait3A_102 = tpu.memref_squeeze %dma_wait3A_101 : memref<1x!tpu.dma_semaphore, #tpu.memory_space<semaphore_mem>> -> memref<!tpu.dma_semaphore, #tpu.memory_space<semaphore_mem>>
    %dma_wait3A_103 = arith.constant 0 : i32
    %dma_wait3A_104 = arith.constant 0 : i32
    %dma_wait3A_105 = tpu.memref_slice %arg6[%dma_wait3A_95, %dma_wait3A_103, %dma_wait3A_104] : memref<7x128x128xf32, #tpu.memory_space<vmem>> -> memref<1x128x128xf32, #tpu.memory_space<vmem>>
    %dma_wait3A_106 = tpu.memref_squeeze %dma_wait3A_105 : memref<1x128x128xf32, #tpu.memory_space<vmem>> -> memref<128x128xf32, #tpu.memory_space<vmem>>
    tpu.wait_dma2 semaphore(%dma_wait3A_102 : memref<!tpu.dma_semaphore, #tpu.memory_space<semaphore_mem>>) src(%arg2 : memref<128x128xf32, #tpu.memory_space<hbm>>) dst(%dma_wait3A_106 : memref<128x128xf32, #tpu.memory_space<vmem>>)
    %dma_wait3A_107 = arith.constant 2 : i32
    %dma_wait3A_108 = arith.constant 2 : i32
    %dma_wait3A_109 = arith.constant 0 : i32
    %dma_wait3A_110 = arith.constant 0 : i32
    %dma_wait3A_111 = tpu.memref_slice %arg6[%dma_wait3A_107, %dma_wait3A_109, %dma_wait3A_110] : memref<7x128x128xf32, #tpu.memory_space<vmem>> -> memref<1x128x128xf32, #tpu.memory_space<vmem>>
    %dma_wait3A_112 = tpu.memref_squeeze %dma_wait3A_111 : memref<1x128x128xf32, #tpu.memory_space<vmem>> -> memref<128x128xf32, #tpu.memory_space<vmem>>
    %dma_wait3A_113 = tpu.memref_slice %arg9[%dma_wait3A_108] : memref<7x!tpu.dma_semaphore, #tpu.memory_space<semaphore_mem>> -> memref<1x!tpu.dma_semaphore, #tpu.memory_space<semaphore_mem>>
    %dma_wait3A_114 = tpu.memref_squeeze %dma_wait3A_113 : memref<1x!tpu.dma_semaphore, #tpu.memory_space<semaphore_mem>> -> memref<!tpu.dma_semaphore, #tpu.memory_space<semaphore_mem>>
    %dma_wait3A_115 = arith.constant 0 : i32
    %dma_wait3A_116 = arith.constant 0 : i32
    %dma_wait3A_117 = tpu.memref_slice %arg6[%dma_wait3A_107, %dma_wait3A_115, %dma_wait3A_116] : memref<7x128x128xf32, #tpu.memory_space<vmem>> -> memref<1x128x128xf32, #tpu.memory_space<vmem>>
    %dma_wait3A_118 = tpu.memref_squeeze %dma_wait3A_117 : memref<1x128x128xf32, #tpu.memory_space<vmem>> -> memref<128x128xf32, #tpu.memory_space<vmem>>
    tpu.wait_dma2 semaphore(%dma_wait3A_114 : memref<!tpu.dma_semaphore, #tpu.memory_space<semaphore_mem>>) src(%arg2 : memref<128x128xf32, #tpu.memory_space<hbm>>) dst(%dma_wait3A_118 : memref<128x128xf32, #tpu.memory_space<vmem>>)
    %dma_wait3A_119 = arith.constant 3 : i32
    %dma_wait3A_120 = arith.constant 3 : i32
    %dma_wait3A_121 = arith.constant 0 : i32
    %dma_wait3A_122 = arith.constant 0 : i32
    %dma_wait3A_123 = tpu.memref_slice %arg6[%dma_wait3A_119, %dma_wait3A_121, %dma_wait3A_122] : memref<7x128x128xf32, #tpu.memory_space<vmem>> -> memref<1x128x128xf32, #tpu.memory_space<vmem>>
    %dma_wait3A_124 = tpu.memref_squeeze %dma_wait3A_123 : memref<1x128x128xf32, #tpu.memory_space<vmem>> -> memref<128x128xf32, #tpu.memory_space<vmem>>
    %dma_wait3A_125 = tpu.memref_slice %arg9[%dma_wait3A_120] : memref<7x!tpu.dma_semaphore, #tpu.memory_space<semaphore_mem>> -> memref<1x!tpu.dma_semaphore, #tpu.memory_space<semaphore_mem>>
    %dma_wait3A_126 = tpu.memref_squeeze %dma_wait3A_125 : memref<1x!tpu.dma_semaphore, #tpu.memory_space<semaphore_mem>> -> memref<!tpu.dma_semaphore, #tpu.memory_space<semaphore_mem>>
    %dma_wait3A_127 = arith.constant 0 : i32
    %dma_wait3A_128 = arith.constant 0 : i32
    %dma_wait3A_129 = tpu.memref_slice %arg6[%dma_wait3A_119, %dma_wait3A_127, %dma_wait3A_128] : memref<7x128x128xf32, #tpu.memory_space<vmem>> -> memref<1x128x128xf32, #tpu.memory_space<vmem>>
    %dma_wait3A_130 = tpu.memref_squeeze %dma_wait3A_129 : memref<1x128x128xf32, #tpu.memory_space<vmem>> -> memref<128x128xf32, #tpu.memory_space<vmem>>
    tpu.wait_dma2 semaphore(%dma_wait3A_126 : memref<!tpu.dma_semaphore, #tpu.memory_space<semaphore_mem>>) src(%arg2 : memref<128x128xf32, #tpu.memory_space<hbm>>) dst(%dma_wait3A_130 : memref<128x128xf32, #tpu.memory_space<vmem>>)
    %dma_wait3A_131 = arith.constant 4 : i32
    %dma_wait3A_132 = arith.constant 4 : i32
    %dma_wait3A_133 = arith.constant 0 : i32
    %dma_wait3A_134 = arith.constant 0 : i32
    %dma_wait3A_135 = tpu.memref_slice %arg6[%dma_wait3A_131, %dma_wait3A_133, %dma_wait3A_134] : memref<7x128x128xf32, #tpu.memory_space<vmem>> -> memref<1x128x128xf32, #tpu.memory_space<vmem>>
    %dma_wait3A_136 = tpu.memref_squeeze %dma_wait3A_135 : memref<1x128x128xf32, #tpu.memory_space<vmem>> -> memref<128x128xf32, #tpu.memory_space<vmem>>
    %dma_wait3A_137 = tpu.memref_slice %arg9[%dma_wait3A_132] : memref<7x!tpu.dma_semaphore, #tpu.memory_space<semaphore_mem>> -> memref<1x!tpu.dma_semaphore, #tpu.memory_space<semaphore_mem>>
    %dma_wait3A_138 = tpu.memref_squeeze %dma_wait3A_137 : memref<1x!tpu.dma_semaphore, #tpu.memory_space<semaphore_mem>> -> memref<!tpu.dma_semaphore, #tpu.memory_space<semaphore_mem>>
    %dma_wait3A_139 = arith.constant 0 : i32
    %dma_wait3A_140 = arith.constant 0 : i32
    %dma_wait3A_141 = tpu.memref_slice %arg6[%dma_wait3A_131, %dma_wait3A_139, %dma_wait3A_140] : memref<7x128x128xf32, #tpu.memory_space<vmem>> -> memref<1x128x128xf32, #tpu.memory_space<vmem>>
    %dma_wait3A_142 = tpu.memref_squeeze %dma_wait3A_141 : memref<1x128x128xf32, #tpu.memory_space<vmem>> -> memref<128x128xf32, #tpu.memory_space<vmem>>
    tpu.wait_dma2 semaphore(%dma_wait3A_138 : memref<!tpu.dma_semaphore, #tpu.memory_space<semaphore_mem>>) src(%arg2 : memref<128x128xf32, #tpu.memory_space<hbm>>) dst(%dma_wait3A_142 : memref<128x128xf32, #tpu.memory_space<vmem>>)
    %dma_wait3A_143 = arith.constant 5 : i32
    %dma_wait3A_144 = arith.constant 5 : i32
    %dma_wait3A_145 = arith.constant 0 : i32
    %dma_wait3A_146 = arith.constant 0 : i32
    %dma_wait3A_147 = tpu.memref_slice %arg6[%dma_wait3A_143, %dma_wait3A_145, %dma_wait3A_146] : memref<7x128x128xf32, #tpu.memory_space<vmem>> -> memref<1x128x128xf32, #tpu.memory_space<vmem>>
    %dma_wait3A_148 = tpu.memref_squeeze %dma_wait3A_147 : memref<1x128x128xf32, #tpu.memory_space<vmem>> -> memref<128x128xf32, #tpu.memory_space<vmem>>
    %dma_wait3A_149 = tpu.memref_slice %arg9[%dma_wait3A_144] : memref<7x!tpu.dma_semaphore, #tpu.memory_space<semaphore_mem>> -> memref<1x!tpu.dma_semaphore, #tpu.memory_space<semaphore_mem>>
    %dma_wait3A_150 = tpu.memref_squeeze %dma_wait3A_149 : memref<1x!tpu.dma_semaphore, #tpu.memory_space<semaphore_mem>> -> memref<!tpu.dma_semaphore, #tpu.memory_space<semaphore_mem>>
    %dma_wait3A_151 = arith.constant 0 : i32
    %dma_wait3A_152 = arith.constant 0 : i32
    %dma_wait3A_153 = tpu.memref_slice %arg6[%dma_wait3A_143, %dma_wait3A_151, %dma_wait3A_152] : memref<7x128x128xf32, #tpu.memory_space<vmem>> -> memref<1x128x128xf32, #tpu.memory_space<vmem>>
    %dma_wait3A_154 = tpu.memref_squeeze %dma_wait3A_153 : memref<1x128x128xf32, #tpu.memory_space<vmem>> -> memref<128x128xf32, #tpu.memory_space<vmem>>
    tpu.wait_dma2 semaphore(%dma_wait3A_150 : memref<!tpu.dma_semaphore, #tpu.memory_space<semaphore_mem>>) src(%arg2 : memref<128x128xf32, #tpu.memory_space<hbm>>) dst(%dma_wait3A_154 : memref<128x128xf32, #tpu.memory_space<vmem>>)
    %dma_wait3A_155 = arith.constant 6 : i32
    %dma_wait3A_156 = arith.constant 6 : i32
    %dma_wait3A_157 = arith.constant 0 : i32
    %dma_wait3A_158 = arith.constant 0 : i32
    %dma_wait3A_159 = tpu.memref_slice %arg6[%dma_wait3A_155, %dma_wait3A_157, %dma_wait3A_158] : memref<7x128x128xf32, #tpu.memory_space<vmem>> -> memref<1x128x128xf32, #tpu.memory_space<vmem>>
    %dma_wait3A_160 = tpu.memref_squeeze %dma_wait3A_159 : memref<1x128x128xf32, #tpu.memory_space<vmem>> -> memref<128x128xf32, #tpu.memory_space<vmem>>
    %dma_wait3A_161 = tpu.memref_slice %arg9[%dma_wait3A_156] : memref<7x!tpu.dma_semaphore, #tpu.memory_space<semaphore_mem>> -> memref<1x!tpu.dma_semaphore, #tpu.memory_space<semaphore_mem>>
    %dma_wait3A_162 = tpu.memref_squeeze %dma_wait3A_161 : memref<1x!tpu.dma_semaphore, #tpu.memory_space<semaphore_mem>> -> memref<!tpu.dma_semaphore, #tpu.memory_space<semaphore_mem>>
    %dma_wait3A_163 = arith.constant 0 : i32
    %dma_wait3A_164 = arith.constant 0 : i32
    %dma_wait3A_165 = tpu.memref_slice %arg6[%dma_wait3A_155, %dma_wait3A_163, %dma_wait3A_164] : memref<7x128x128xf32, #tpu.memory_space<vmem>> -> memref<1x128x128xf32, #tpu.memory_space<vmem>>
    %dma_wait3A_166 = tpu.memref_squeeze %dma_wait3A_165 : memref<1x128x128xf32, #tpu.memory_space<vmem>> -> memref<128x128xf32, #tpu.memory_space<vmem>>
    tpu.wait_dma2 semaphore(%dma_wait3A_162 : memref<!tpu.dma_semaphore, #tpu.memory_space<semaphore_mem>>) src(%arg2 : memref<128x128xf32, #tpu.memory_space<hbm>>) dst(%dma_wait3A_166 : memref<128x128xf32, #tpu.memory_space<vmem>>)
    %eq3A_167 = arith.constant 31 : i32
    %eq3A_168 = arith.cmpi eq, %add3A, %eq3A_167 : i32
    %convert_element_type3A_169 = arith.extui %eq3A_168 : i1 to i32
    %cond3A_170 = arith.constant 0 : i32
    %cond3A_171 = arith.cmpi ne, %convert_element_type3A_169, %cond3A_170 : i32
    scf.if %cond3A_171 {
      %dma_start3A_172 = arith.constant 0 : i32
      %dma_start3A_173 = arith.constant 0 : i32
      %dma_start3A_174 = arith.constant 0 : i32
      %dma_start3A_175 = arith.constant 0 : i32
      %dma_start3A_176 = tpu.memref_slice %arg6[%dma_start3A_172, %dma_start3A_174, %dma_start3A_175] : memref<7x128x128xf32, #tpu.memory_space<vmem>> -> memref<1x128x128xf32, #tpu.memory_space<vmem>>
      %dma_start3A_177 = tpu.memref_squeeze %dma_start3A_176 : memref<1x128x128xf32, #tpu.memory_space<vmem>> -> memref<128x128xf32, #tpu.memory_space<vmem>>
      %dma_start3A_178 = arith.constant 0 : i32
      %dma_start3A_179 = arith.constant 0 : i32
      %dma_start3A_180 = tpu.memref_slice %dma_start3A_177[%dma_start3A_178, %dma_start3A_179] : memref<128x128xf32, #tpu.memory_space<vmem>> -> memref<32x128xf32, #tpu.memory_space<vmem>>
      %dma_start3A_181 = arith.constant 2944 : i32
      %dma_start3A_182 = tpu.memref_slice %arg5[%dma_start3A_181] : memref<3200xi32, #tpu.memory_space<vmem>> -> memref<32xi32, #tpu.memory_space<vmem>>
      %dma_start3A_183 = arith.constant 0 : i32
      %dma_start3A_184 = arith.constant 0 : i32
      %dma_start3A_185 = tpu.memref_slice %arg7[%dma_start3A_183, %dma_start3A_184] : memref<128x128xf32, #tpu.memory_space<vmem_shared>> -> memref<128x128xf32, #tpu.memory_space<vmem_shared>>
      %dma_start3A_186 = tpu.memref_slice %arg8[%dma_start3A_173] : memref<7x!tpu.dma_semaphore, #tpu.memory_space<semaphore_mem>> -> memref<1x!tpu.dma_semaphore, #tpu.memory_space<semaphore_mem>>
      %dma_start3A_187 = tpu.memref_squeeze %dma_start3A_186 : memref<1x!tpu.dma_semaphore, #tpu.memory_space<semaphore_mem>> -> memref<!tpu.dma_semaphore, #tpu.memory_space<semaphore_mem>>
      tpu.enqueue_indirect_dma source(%dma_start3A_185 : memref<128x128xf32, #tpu.memory_space<vmem_shared>>) target(%dma_start3A_180 : memref<32x128xf32, #tpu.memory_space<vmem>>) offsets(%dma_start3A_182 : memref<32xi32, #tpu.memory_space<vmem>>) semaphore(%dma_start3A_187 : memref<!tpu.dma_semaphore, #tpu.memory_space<semaphore_mem>>)
      %dma_wait3A_188 = arith.constant 0 : i32
      %dma_wait3A_189 = arith.constant 0 : i32
      %dma_wait3A_190 = arith.constant 0 : i32
      %dma_wait3A_191 = arith.constant 0 : i32
      %dma_wait3A_192 = tpu.memref_slice %arg6[%dma_wait3A_188, %dma_wait3A_190, %dma_wait3A_191] : memref<7x128x128xf32, #tpu.memory_space<vmem>> -> memref<1x128x128xf32, #tpu.memory_space<vmem>>
      %dma_wait3A_193 = tpu.memref_squeeze %dma_wait3A_192 : memref<1x128x128xf32, #tpu.memory_space<vmem>> -> memref<128x128xf32, #tpu.memory_space<vmem>>
      %dma_wait3A_194 = arith.constant 0 : i32
      %dma_wait3A_195 = arith.constant 0 : i32
      %dma_wait3A_196 = tpu.memref_slice %dma_wait3A_193[%dma_wait3A_194, %dma_wait3A_195] : memref<128x128xf32, #tpu.memory_space<vmem>> -> memref<32x128xf32, #tpu.memory_space<vmem>>
      %dma_wait3A_197 = arith.constant 2944 : i32
      %dma_wait3A_198 = tpu.memref_slice %arg5[%dma_wait3A_197] : memref<3200xi32, #tpu.memory_space<vmem>> -> memref<32xi32, #tpu.memory_space<vmem>>
      %dma_wait3A_199 = arith.constant 0 : i32
      %dma_wait3A_200 = arith.constant 0 : i32
      %dma_wait3A_201 = tpu.memref_slice %arg7[%dma_wait3A_199, %dma_wait3A_200] : memref<128x128xf32, #tpu.memory_space<vmem_shared>> -> memref<128x128xf32, #tpu.memory_space<vmem_shared>>
      %dma_wait3A_202 = tpu.memref_slice %arg8[%dma_wait3A_189] : memref<7x!tpu.dma_semaphore, #tpu.memory_space<semaphore_mem>> -> memref<1x!tpu.dma_semaphore, #tpu.memory_space<semaphore_mem>>
      %dma_wait3A_203 = tpu.memref_squeeze %dma_wait3A_202 : memref<1x!tpu.dma_semaphore, #tpu.memory_space<semaphore_mem>> -> memref<!tpu.dma_semaphore, #tpu.memory_space<semaphore_mem>>
      tpu.wait_indirect_dma semaphore(%dma_wait3A_203 : memref<!tpu.dma_semaphore, #tpu.memory_space<semaphore_mem>>) src(%dma_wait3A_201 : memref<128x128xf32, #tpu.memory_space<vmem_shared>>) dst(%dma_wait3A_196 : memref<32x128xf32, #tpu.memory_space<vmem>>)
      %run_scoped3A = arith.constant 0 : i32
      "tpu.region"() ({
        %run_scoped3A_204 = tpu.sem_alloc : memref<!tpu.dma_semaphore, #tpu.memory_space<semaphore_mem>>
        %dma_start3A_205 = arith.constant 0 : i32
        %dma_start3A_206 = arith.constant 0 : i32
        %dma_start3A_207 = tpu.memref_slice %arg6[%run_scoped3A, %dma_start3A_205, %dma_start3A_206] : memref<7x128x128xf32, #tpu.memory_space<vmem>> -> memref<1x128x128xf32, #tpu.memory_space<vmem>>
        %dma_start3A_208 = tpu.memref_squeeze %dma_start3A_207 : memref<1x128x128xf32, #tpu.memory_space<vmem>> -> memref<128x128xf32, #tpu.memory_space<vmem>>
        %dma_start3A_209 = arith.constant 0 : i32
        %dma_start3A_210 = arith.constant 0 : i32
        %dma_start3A_211 = tpu.memref_slice %dma_start3A_208[%dma_start3A_209, %dma_start3A_210] : memref<128x128xf32, #tpu.memory_space<vmem>> -> memref<32x128xf32, #tpu.memory_space<vmem>>
        %dma_start3A_212 = arith.constant 99968 : i32
        %dma_start3A_213 = arith.constant 0 : i32
        %dma_start3A_214 = tpu.memref_slice %arg4[%dma_start3A_212, %dma_start3A_213] : memref<100000x128xf32, #tpu.memory_space<hbm>> -> memref<32x128xf32, #tpu.memory_space<hbm>>
        %dma_start3A_215 = arith.constant 99968 : i32
        %dma_start3A_216 = arith.constant 0 : i32
        %dma_start3A_217 = tpu.memref_slice %arg4[%dma_start3A_215, %dma_start3A_216] : memref<100000x128xf32, #tpu.memory_space<hbm>> -> memref<32x128xf32, #tpu.memory_space<hbm>>
        %dma_start3A_218 = arith.constant 0 : i32
        %dma_start3A_219 = arith.constant 0 : i32
        %dma_start3A_220 = tpu.memref_slice %arg6[%run_scoped3A, %dma_start3A_218, %dma_start3A_219] : memref<7x128x128xf32, #tpu.memory_space<vmem>> -> memref<1x128x128xf32, #tpu.memory_space<vmem>>
        %dma_start3A_221 = tpu.memref_squeeze %dma_start3A_220 : memref<1x128x128xf32, #tpu.memory_space<vmem>> -> memref<128x128xf32, #tpu.memory_space<vmem>>
        %dma_start3A_222 = arith.constant 0 : i32
        %dma_start3A_223 = arith.constant 0 : i32
        %dma_start3A_224 = tpu.memref_slice %dma_start3A_221[%dma_start3A_222, %dma_start3A_223] : memref<128x128xf32, #tpu.memory_space<vmem>> -> memref<32x128xf32, #tpu.memory_space<vmem>>
        tpu.enqueue_dma source(%dma_start3A_224 : memref<32x128xf32, #tpu.memory_space<vmem>>) target(%dma_start3A_217 : memref<32x128xf32, #tpu.memory_space<hbm>>) target_semaphore(%run_scoped3A_204 : memref<!tpu.dma_semaphore, #tpu.memory_space<semaphore_mem>>)
        %dma_wait3A_225 = arith.constant 0 : i32
        %dma_wait3A_226 = arith.constant 0 : i32
        %dma_wait3A_227 = tpu.memref_slice %arg6[%run_scoped3A, %dma_wait3A_225, %dma_wait3A_226] : memref<7x128x128xf32, #tpu.memory_space<vmem>> -> memref<1x128x128xf32, #tpu.memory_space<vmem>>
        %dma_wait3A_228 = tpu.memref_squeeze %dma_wait3A_227 : memref<1x128x128xf32, #tpu.memory_space<vmem>> -> memref<128x128xf32, #tpu.memory_space<vmem>>
        %dma_wait3A_229 = arith.constant 0 : i32
        %dma_wait3A_230 = arith.constant 0 : i32
        %dma_wait3A_231 = tpu.memref_slice %dma_wait3A_228[%dma_wait3A_229, %dma_wait3A_230] : memref<128x128xf32, #tpu.memory_space<vmem>> -> memref<32x128xf32, #tpu.memory_space<vmem>>
        %dma_wait3A_232 = arith.constant 99968 : i32
        %dma_wait3A_233 = arith.constant 0 : i32
        %dma_wait3A_234 = tpu.memref_slice %arg4[%dma_wait3A_232, %dma_wait3A_233] : memref<100000x128xf32, #tpu.memory_space<hbm>> -> memref<32x128xf32, #tpu.memory_space<hbm>>
        %dma_wait3A_235 = arith.constant 99968 : i32
        %dma_wait3A_236 = arith.constant 0 : i32
        %dma_wait3A_237 = tpu.memref_slice %arg4[%dma_wait3A_235, %dma_wait3A_236] : memref<100000x128xf32, #tpu.memory_space<hbm>> -> memref<32x128xf32, #tpu.memory_space<hbm>>
        %dma_wait3A_238 = arith.constant 0 : i32
        %dma_wait3A_239 = arith.constant 0 : i32
        %dma_wait3A_240 = tpu.memref_slice %arg6[%run_scoped3A, %dma_wait3A_238, %dma_wait3A_239] : memref<7x128x128xf32, #tpu.memory_space<vmem>> -> memref<1x128x128xf32, #tpu.memory_space<vmem>>
        %dma_wait3A_241 = tpu.memref_squeeze %dma_wait3A_240 : memref<1x128x128xf32, #tpu.memory_space<vmem>> -> memref<128x128xf32, #tpu.memory_space<vmem>>
        %dma_wait3A_242 = arith.constant 0 : i32
        %dma_wait3A_243 = arith.constant 0 : i32
        %dma_wait3A_244 = tpu.memref_slice %dma_wait3A_241[%dma_wait3A_242, %dma_wait3A_243] : memref<128x128xf32, #tpu.memory_space<vmem>> -> memref<32x128xf32, #tpu.memory_space<vmem>>
        tpu.wait_dma2 semaphore(%run_scoped3A_204 : memref<!tpu.dma_semaphore, #tpu.memory_space<semaphore_mem>>) src(%dma_wait3A_244 : memref<32x128xf32, #tpu.memory_space<vmem>>) dst(%dma_wait3A_237 : memref<32x128xf32, #tpu.memory_space<hbm>>)
        tpu.yield
      }) : () -> ()
    } else {
    }
    return
  }
}

module attributes {stable_mosaic.version = 14 : i64} {
  func.func @_mm_body(%arg0: memref<100x92xf32, #tpu.memory_space<vmem>>, %arg1: memref<128x92xf32, #tpu.memory_space<vmem>>, %arg2: memref<128x128xf32, #tpu.memory_space<vmem>>) attributes {dimension_semantics = [], scalar_prefetch = 0 : i64, scratch_operands = 0 : i64, tpu.core_type = #tpu.core_type<tc>} {
    %get3A = arith.constant 0 : index
    %get3A_0 = arith.constant 0 : index
    %get3A_1 = vector.load %arg0[%get3A, %get3A_0] : memref<100x92xf32, #tpu.memory_space<vmem>>, vector<100x92xf32>
    %get3A_2 = arith.constant 0 : index
    %get3A_3 = arith.constant 0 : index
    %get3A_4 = vector.load %arg1[%get3A_2, %get3A_3] : memref<128x92xf32, #tpu.memory_space<vmem>>, vector<128x92xf32>
    %dot_general3A = arith.constant dense<0.000000e+00> : vector<100x128xf32>
    %dot_general3A_5 = tpu.matmul %get3A_1, %get3A_4, %dot_general3A {dimension_numbers = #tpu.dot_dimension_numbers<[1], [1], [0], [0], [0, 0, 1, 0], [], []>, transpose_lhs_hint = false} : vector<100x92xf32>, vector<128x92xf32>, vector<100x128xf32> -> vector<100x128xf32>
    %broadcast_in_dim3A = arith.constant 0.000000e+00 : f32
    %broadcast_in_dim3A_6 = vector.broadcast %broadcast_in_dim3A : f32 to vector<28x128xf32>
    %concatenate3A = tpu.concatenate %dot_general3A_5, %broadcast_in_dim3A_6 in 0 : vector<100x128xf32>, vector<28x128xf32> -> vector<128x128xf32>
    %swap3A = arith.constant 0 : index
    %swap3A_7 = arith.constant 0 : index
    %swap3A_8 = vector.load %arg2[%swap3A, %swap3A_7] : memref<128x128xf32, #tpu.memory_space<vmem>>, vector<128x128xf32>
    tpu.vector_store %arg2[%swap3A, %swap3A_7], %concatenate3A {strides = array<i32>} : memref<128x128xf32, #tpu.memory_space<vmem>>, vector<128x128xf32>,
    return
  }
}

</mosaic_0001>

<sc_bundles>
// kernel: kernel.4.cloned.1.call-start
scs
__scs_entry_jumppad:
0x0: {  	(pc) =	sbr.rel $0x88, $3  }
0x1: {  	(tag) =	ssettag $0x0;
	lr =	simm.s32 $0x1  }
0x2: {  	[smem:$0x3F9E] =	sst lr;
	_ =	strace $0xD0000000  }
0x3: {  	_ = 	snop  }
0x4: {  	_ = 	snop  }
0x5: {  	_ = 	snop  }
0x6: {  	_ = 	snop  }
0x7: {  	_ = 	snop  }
__scs_overlays_trampoline_lowered:
0x8: {  	[smem:$0x3FAD] =	sst s0  }
0x9: {  	[smem:$0x3FAE] =	sst s1  }
0xa: {  	[smem:$0x3FAF] =	sst s2  }
0xb: {  	[smem:$0x3FB0] =	sst s3  }
0xc: {  	[smem:$0x3FB1] =	sst s4  }
0xd: {  	[smem:$0x3FB2] =	sst s5  }
0xe: {  	[smem:$0x3FB3] =	sst s6  }
0xf: {  	[smem:$0x3FB4] =	sst s7  }
0x10: {  	[smem:$0x3FB5] =	sst s8  }
0x11: {  	[smem:$0x3FB6] =	sst s9;
	s0 =	simm.s32 @!p0 $0x0  }
0x12: {  	s1 =	sld [smem:$0x3F9C];
	s0 =	simm.s32 @p0 $0x1  }
0x13: {  	[smem:$0x3FB7] =	sst s0;
	s0 =	simm.s32 @!p1 $0x0  }
0x14: {  	s2 =	sld [smem:$0x3F9B];
	s0 =	simm.s32 @p1 $0x1  }
0x15: {  	[smem:$0x3FB8] =	sst s0;
	s0 =	simm.s32 @!p2 $0x0  }
0x16: {  	s3 =	sld [smem:$0x3FDB];
	s0 =	simm.s32 @p2 $0x1  }
0x17: {  	s4 =	simm.s32 $0x1BF5;
	[smem:$0x3FBA] =	sst s0  }
0x18: {  	s0 =	sld [smem:$0x3F9D];
	_ =	swait.ge [sflag:s4], $0x0  }
0x19: {  	s7 =	sld [smem:$0x3F9E]  }
0x1a: {  	s8 =	sadd.s32 $0xFFFFE003, lr  }
0x1b: {  	s9 =	sadd.s32 $0xFFFFFEF7, lr;
	s5 =	simm.s32 $0xFFFFFFFF;
	p2 =	slt.u32 s8, $0xFFFFF086  }
0x1c: {  	p1 =	slt.u32 s9, $0xF7A;
	s5 =	simm.s32 @!p2 $0x0  }
0x1d: {  	s5 =	simm.s32 @p1 $0x1;
	p0 =	seq.s32 s7, s2  }
0x1e: {  	s7 =	smul.u32 @!p0 $0xF7A, s2;
	p2 =	seq.s32 @!p0 s5, $0x0  }
0x1f: {  	s9 =	smul.u32 $0xF7A, s1;
	s8 =	simm.s32 @!p0 $0x1BF5;
	p2 =	por !p2, p0  }
0x20: {  	[sflag:s8] =	ssyncset.s32 @!p0 $0xFFFFF086;
	s6 =	sadd.s32 @!p0 s3, s7;
	s7 =	simm.s32 @!p0 $0x108  }
0x21: {  	s3 =	sadd.s32 s3, s9;
	s6 =	sadd.s32 @!p0 $0x88, s6;
	s7 =	simm.s32 @p2 $0x1082  }
0x22: {  	[simem:s7], [sflag:s8] =	dma.local @!p0 [hbm:s6], $0xF7A  }
0x23: {  	s9 =	sor.u32 $0xD0000000, s2;
	s6 =	simm.s32 $0x108;
	_ =	swait.ge @!p0 [sflag:s8], $0x0  }
0x24: {  	s3 =	sadd.s32 $0x88, s3;
	s6 =	simm.s32 @!p1 $0x1082;
	[sflag:s4] =	ssyncset.s32 $0xFFFFF086  }
0x25: {  	[simem:s6], [sflag:s4] =	dma.local [hbm:s3], $0xF7A  }
0x26: {  	[smem:$0x3F9E] =	sst s1;
	(tag) =	ssettag s2;
	_ =	strace s9  }
0x27: {  	s1 =	sld [smem:$0x3FAE]  }
0x28: {  	s2 =	sld [smem:$0x3FAF]  }
0x29: {  	s4 =	sld [smem:$0x3FB1]  }
0x2a: {  	p0 =	seq.s32 s5, $0x0;
	s5 =	sld [smem:$0x3FB2]  }
0x2b: {  	s6 =	sld [smem:$0x3FB3]  }
0x2c: {  	s7 =	sld [smem:$0x3FB4]  }
0x2d: {  	s3 =	simm.s32 $0x108;
	s8 =	sld [smem:$0x3FB5]  }
0x2e: {  	s3 =	simm.s32 @!p0 $0x1082;
	s9 =	sld [smem:$0x3FB6]  }
0x2f: {  	lr =	sadd.s32 s0, s3;
	s0 =	sld [smem:$0x3FAD]  }
0x30: {  	s3 =	sld [smem:$0x3FB0]  }
0x31: {  	[smem:$0x3FB9] =	sst s10  }
0x32: {  	s10 =	sld [smem:$0x3FB7];
	_ =	sdelay $0x3  }
0x33: {  	p0 =	seq.s32 s10, $0x1;
	s10 =	sld [smem:$0x3FB9];
	_ =	sdelay $0x3  }
0x34: {  	[smem:$0x3FB9] =	sst s10  }
0x35: {  	s10 =	sld [smem:$0x3FB8];
	_ =	sdelay $0x3  }
0x36: {  	p1 =	seq.s32 s10, $0x1;
	s10 =	sld [smem:$0x3FB9];
	_ =	sdelay $0x3  }
0x37: {  	[smem:$0x3FB9] =	sst s10  }
0x38: {  	s10 =	sld [smem:$0x3FBA]  }
0x39: {  	_ = 	snop;
	(pc) =	sbr.ind lr, $3  }
0x3a: {  	_ = 	snop  }
0x3b: {  	_ = 	snop  }
0x3c: {  	p2 =	seq.s32 s10, $0x1;
	s10 =	sld [smem:$0x3FB9]  }
0x3d: {  	_ =	shalt  }
0x3e: {  	_ =	shalt  }
0x3f: {  	_ =	shalt  }
0x40: {  	_ =	shalt  }
0x41: {  	_ =	shalt  }
0x42: {  	_ =	shalt  }
0x43: {  	_ =	shalt  }
0x44: {  	_ =	shalt  }
0x45: {  	_ =	shalt  }
0x46: {  	_ =	shalt  }
0x47: {  	_ =	shalt  }
0x48: {  	_ =	shalt  }
0x49: {  	_ =	shalt  }
0x4a: {  	_ =	shalt  }
0x4b: {  	_ =	shalt  }
0x4c: {  	_ =	shalt  }
0x4d: {  	_ =	shalt  }
0x4e: {  	_ =	shalt  }
0x4f: {  	_ =	shalt  }
0x50: {  	_ =	shalt  }
0x51: {  	_ =	shalt  }
0x52: {  	_ =	shalt  }
0x53: {  	_ =	shalt  }
0x54: {  	_ =	shalt  }
0x55: {  	_ =	shalt  }
0x56: {  	_ =	shalt  }
0x57: {  	_ =	shalt  }
0x58: {  	_ =	shalt  }
0x59: {  	_ =	shalt  }
0x5a: {  	_ =	shalt  }
0x5b: {  	_ =	shalt  }
0x5c: {  	_ =	shalt  }
0x5d: {  	_ =	shalt  }
0x5e: {  	_ =	shalt  }
0x5f: {  	_ =	shalt  }
0x60: {  	_ =	shalt  }
0x61: {  	_ =	shalt  }
0x62: {  	_ =	shalt  }
0x63: {  	_ =	shalt  }
0x64: {  	_ =	shalt  }
0x65: {  	_ =	shalt  }
0x66: {  	_ =	shalt  }
0x67: {  	_ =	shalt  }
0x68: {  	_ =	shalt  }
0x69: {  	_ =	shalt  }
0x6a: {  	_ =	shalt  }
0x6b: {  	_ =	shalt  }
0x6c: {  	_ =	shalt  }
0x6d: {  	_ =	shalt  }
0x6e: {  	_ =	shalt  }
0x6f: {  	_ =	shalt  }
0x70: {  	_ =	shalt  }
0x71: {  	_ =	shalt  }
0x72: {  	_ =	shalt  }
0x73: {  	_ =	shalt  }
0x74: {  	_ =	shalt  }
0x75: {  	_ =	shalt  }
0x76: {  	_ =	shalt  }
0x77: {  	_ =	shalt  }
0x78: {  	_ =	shalt  }
0x79: {  	_ =	shalt  }
0x7a: {  	_ =	shalt  }
0x7b: {  	_ =	shalt  }
0x7c: {  	_ =	shalt  }
0x7d: {  	_ =	shalt  }
0x7e: {  	_ =	shalt  }
0x7f: {  	_ =	shalt  }
0x80: {  	_ =	shalt  }
0x81: {  	_ =	shalt  }
0x82: {  	_ =	shalt  }
0x83: {  	_ =	shalt  }
0x84: {  	_ =	shalt  }
0x85: {  	_ =	shalt  }
0x86: {  	_ =	shalt  }
0x87: {  	_ =	shalt  }
.Lfunc_end0:
.L_simem_size_0:
called_computation_lowered:
.L_overlay_start_0:
0x88: {  	s2 =	sld [smem:$0x3FD9]  }
0x89: {  	s3 =	sld [smem:$0x3FFE];
	_ =	sdelay $0x1  }
0x8a: {  	s1 =	srdreg.scid  }
0x8b: {  	s0 =	sand.u32 $0x1, s1  }
0x8c: {  	s17 =	sshll.u32 s0, $0xA;
	s2 =	sadd.s32 s3, s2  }
0x8d: {  	s2 =	sadd.s32 s2, s17  }
0x8e: {  	[smem:$0x3FC5] =	sst s2  }
0x8f: {  	_ = 	snop  }
0x90: {  	s2 =	sld [smem:$0x3FC9]  }
0x91: {  	s18 =	sld [smem:$0x3FD0];
	(tm) =	ssettm $0x1  }
0x92: {  	s4 =	sld [smem:$0x3FFB];
	_ =	sdelay $0x3  }
0x93: {  	_ =	strace s4  }
0x94: {  	s4 =	sld [smem:$0x3FFC];
	_ =	sdelay $0x3  }
0x95: {  	_ =	strace s4  }
0x96: {  	s4 =	sld [smem:$0x3FFD];
	_ =	sdelay $0x3  }
0x97: {  	_ =	strace s4  }
0x98: {  	_ =	strace $0x8FFFFFFF  }
0x99: {  	s19 =	sld [smem:$0x3FDB];
	_ =	sdelay $0x1  }
0x9a: {  	s5 =	simm.s32 $_scs_section_size  }
0x9b: {  	s6 =	simm.s32 $_size__tile_overlayer_lowered;
	s7 =	simm.s32 $_tile_overlayer_lowered  }
0x9c: {  	s22 =	simm.s32 $0x1BFF;
	s21 =	sshll.u32 s7, $0x1;
	s4 =	sadd.s32 s5, s19  }
0x9d: {  	s8 =	simm.s32 $0x0;
	s20 =	sshll.u32 s6, $0x1;
	s6 =	sadd.s32 s21, s4  }
0x9e: {  	[timem:s8], [sflag:s22] =	dma.local [hbm:s6], s20  }
0x9f: {  	_ =	swait.ge [sflag:s22], s20  }
0xa0: {  	s5 =	ssub.s32 $0x0, s20;
	[sflag:s22] =	ssyncset.done $0x0  }
0xa1: {  	[sflag:s22] =	ssyncadd.s32 s5;
	_ =	sdelay $0x1  }
0xa2: {  	s23 =	simm.s32 $0x1B8B  }
0xa3: {  	_ =	swait.ge [sflag:s23], $0x1  }
0xa4: {  	[sflag:s23] =	ssyncset.done $0x0  }
0xa5: {  	s25 =	simm.s32 $0x1B8E;
	s24 =	sld [smem:$0x3FFE];
	[sflag:s23] =	ssyncadd.s32 $0xFFFFFFFF  }
0xa6: {  	s26 =	simm.s32 $execute0_lowered;
	[smem:$0x3FD2] =	sst s25  }
0xa7: {  	s6 =	sshll.u32 s26, $0x1;
	_ =	strace $0x80000046;
	[dreg:$0x1] =	wrdreg $0xFFFFFFFF  }
0xa8: {  	s28 =	simm.s32 $_size_execute0_lowered;
	s4 =	sadd.s32 s4, s6;
	[dreg:$0x0] =	wrdreg $0x0  }
0xa9: {  	s6 =	sshll.u32 s28, $0x1;
	[dreg:$0x2] =	wrdreg s4  }
0xaa: {  	[dreg:$0x3] =	wrdreg s6  }
0xab: {  	[dreg:$0x4] =	wrdreg $0xC0  }
0xac: {  	_ =	task [dreg:s8], $0x5FFFF  }
0xad: {  	[dreg:$0x1] =	wrdreg $0xFFFFFFFF  }
0xae: {  	[dreg:$0x0] =	wrdreg $0x60  }
0xaf: {  	[dreg:$0x2] =	wrdreg s24  }
0xb0: {  	[dreg:$0x3] =	wrdreg s2  }
0xb1: {  	[dreg:$0x4] =	wrdreg s18  }
0xb2: {  	[dreg:$0x5] =	wrdreg $0x1CC800  }
0xb3: {  	[dreg:$0x6] =	wrdreg $0x9  }
0xb4: {  	_ =	task.clear_ibuf [dreg:s8], $0x7FFFF;
	_ =	strace $0x90000046  }
0xb5: {  	s29 =	simm.s32 $0x9;
	_ =	strace $0x80000048  }
0xb6: {  	_ =	swait.ge [sflag:s29], $0x1  }
0xb7: {  	[sflag:s29] =	ssyncadd.s32 $0xFFFFFFFF  }
0xb8: {  	_ =	strace $0x90000048  }
0xb9: {  	_ =	sfence  }
0xba: {  	s30 =	sld [smem:$0x0];
	_ =	sdelay $0x2  }
0xbb: {  	s31 =	sshll.u32 s1, $0xD;
	s1 =	sshrl.u32 s1, $0x2  }
0xbc: {  	s3 =	sand.u32 $0x4000, s31;
	s1 =	sadd.s32 s1, s30  }
0xbd: {  	s0 =	sor.u32 s3, s0;
	s1 =	sshll.u32 s1, $0x11  }
0xbe: {  	s0 =	sor.u32 s1, s0  }
0xbf: {  	s0 =	sadd.s32 $0x8F2B, s0  }
0xc0: {  	[sflag:s0] =	ssyncadd.remote.s32 $0x1  }
0xc1: {  	_ =	sfence.sel $0xFFFF  }
0xc2: {  	[dreg:$0x0] =	wrdreg $0xFFFFFFFF;
	(pc) =	sbr.abs _section_cstart, $3  }
0xc3: {  	[dreg:$0x1] =	wrdreg $0xFFFFFFFF  }
0xc4: {  	_ =	task.clear_ibuf [dreg:s8], $0x2FFFF;
	_ =	strace $0x9FFFFFFF  }
0xc5: {  	(tm) =	ssettm $0x7FFFFFFF  }
tec
execute0_lowered:
.L_overlay_start_1:
0x0: {  	(tag) =	ssettag $0x1  }
0x1: {  	s3 =	rddreg [dreg:$0x0]  }
0x2: {  	s6 =	rddreg [dreg:$0x1]  }
0x3: {  	s9 =	rddreg [dreg:$0x2]  }
0x4: {  	s1 =	rddreg [dreg:$0x3]  }
0x5: {  	s2 =	simm.s32 $0x0;
	s4 =	srdreg.scid;
	s10 =	stileid.u32  }
0x6: {  	s8 =	simm.s32 $0x19;
	s13 =	simm.s32 $0x1;
	s17 =	simm.s32 $0xA  }
0x7: {  	s18 =	simm.s32 $0xB;
	s19 =	simm.s32 $0xC;
	s20 =	simm.s32 $0xD  }
0x8: {  	s21 =	simm.s32 $0xE;
	s22 =	simm.s32 $0x0;
	[smem:$0x7FF] =	sst s2  }
0x9: {  	s4 =	sand.u32 $0x1, s4;
	s5 =	sshll.u32 s10, $0x1;
	s0 =	sadd.s32 $0x600, s3  }
0xa: {  	p0 =	slt.u32 s10, $0x7;
	s14 =	smul.u32 $0x30, s10;
	p1 =	sne.s32 s10, $0x0  }
0xb: {  	_ =	strace $0x80000047;
	s15 =	sor.u32 s4, s5;
	[dreg:$0x6] =	wrdreg s0  }
0xc: {  	s29 =	ssub.s32 $0x2, s4;
	s8 =	simm.s32 @!p0 $0x18;
	s16 =	smul.u32 $0x18, s4  }
0xd: {  	s10 =	sshrl.u32 @!p1 s1, $0x3;
	s7 =	smul.u32 $0x18, s15;
	s11 =	smin.u32 s15, $0xE  }
0xe: {  	s12 =	sshrl.u32 s29, $0x1;
	p0 =	seq.s32 s15, $0x1F;
	p2 =	sne.s32 s15, $0x1F  }
0xf: {  	s15 =	simm.s32 $0x8;
	s13 =	simm.s32 @!p0 $0x0;
	s12 =	ssub.s32 s29, s12  }
0x10: {  	s30 =	sadd.s32 s16, s14;
	s16 =	simm.s32 $0x9;
	s7 =	sadd.s32 s11, s7  }
0x11: {  	s4 =	ssub.s32 s8, s13;
	s8 =	smax.u32 s12, $0x1;
	s11 =	sadd.s32 s11, s30  }
0x12: {  	s7 =	sshll.u32 s7, $0x4;
	s31 =	sshll.u32 s4, $0x2;
	s11 =	sshll.u32 s11, $0xB  }
0x13: {  	s5 =	sadd.s32 s6, s7;
	s6 =	sadd.s32 $0x2F60, s6;
	s7 =	sadd.s32 $0x186800, s9  }
0x14: {  	[dreg:$0x5] =	wrdreg s31;
	s9 =	sadd.s32 s11, s9;
	s11 =	simm.s32 $0x80  }
.LBB2_1:
0x15: {  	s23 =	simm.s32 @!p1 $0x1C0F;
	s0 =	rddreg [dreg:$0x6]  }
0x16: {  	[spmem:s10], [sflag:s23] =	dma.local @!p1 [hbm:s0], $0x800  }
0x17: {  	s23 =	simm.s32 @!p1 $0xF  }
0x18: {  	_ =	swait.ge @!p1 [sflag:s23], $0x800  }
0x19: {  	[sflag:s23] =	ssyncset.done @!p1 $0x0  }
0x1a: {  	[sflag:s23] =	ssyncadd.s32 @!p1 $0xFFFFF800;
	s23 =	simm.s32 @p0 $0x0  }
0x1b: {  	[tilespmem:s23], [sflag:$0xF] =	stream.linear.gather @p0 [hbm4b:s6+s23], $0xBA0, $0x38;
	[tilespmem:$0x1D080] =	vst v63  }
0x1c: {  	s23 =	simm.s32 @p0 $0xF  }
0x1d: {  	_ =	swait.ge @p0 [sflag:s23], $0xBA0  }
0x1e: {  	[sflag:s23] =	ssyncset.done @p0 $0x0  }
0x1f: {  	[sflag:s23] =	ssyncadd.s32 @p0 $0xFFFFF460;
	s23 =	simm.s32 @!p0 $0x0  }
0x20: {  	[tilespmem:s23], [sflag:$0xF] =	stream.linear.gather @!p0 [hbm4b:s5+s23], $0xC80, $0x38;
	[tilespmem:$0x1D080] =	vst v63  }
0x21: {  	s23 =	simm.s32 @!p0 $0xF  }
0x22: {  	_ =	swait.ge @!p0 [sflag:s23], $0xC80  }
0x23: {  	[sflag:s23] =	ssyncset.done @!p0 $0x0  }
0x24: {  	s26 =	simm.s32 $0x4C80;
	s31 =	simm.s32 $0x100;
	[sflag:s23] =	ssyncadd.s32 @!p0 $0xFFFFF380  }
0x25: {  	s3 =	simm.s32 $0x8C80;
	s23 =	simm.s32 $0xC80;
	[bflag:$0x0] =	sbarrier.arrive $0xFFFF  }
0x26: {  	[tilespmem:s23], [sflag:$0x1] =	stream.indirect.gather [spmem:s1], $0x80, s2, s11, $0xb8;
	[tilespmem:$0x1D080] =	vst v63  }
0x27: {  	s24 =	simm.s32 $0x3;
	s25 =	simm.s32 $0xCC80;
	s28 =	smov.u32 s9  }
0x28: {  	[tilespmem:s26], [sflag:$0x2] =	stream.indirect.gather [spmem:s1], $0x80, s11, s11, $0xb8;
	[tilespmem:$0x1D080] =	vst v63  }
0x29: {  	s29 =	simm.s32 $0x0;
	s30 =	simm.s32 $0x0;
	s26 =	simm.s32 $0x180  }
0x2a: {  	[tilespmem:s3], [sflag:$0x3] =	stream.indirect.gather [spmem:s1], $0x80, s31, s11, $0xb8;
	[tilespmem:$0x1D080] =	vst v63  }
.LBB2_2:
0x2b: {  	s31 =	smulhi.u32 $0x24924925, s24;
	_ =	sdelay $0x1  }
0x2c: {  	s0 =	ssub.s32 s24, s31  }
0x2d: {  	s3 =	smulhi.u32 $0x24924925, s30;
	s0 =	sshrl.u32 s0, $0x1  }
0x2e: {  	s13 =	sadd.s32 $0xFFFFFFFD, s24;
	s0 =	sadd.s32 s31, s0  }
0x2f: {  	p3 =	sge.u32 s24, s4;
	s14 =	ssub.s32 s30, s3;
	s0 =	sshrl.u32 s0, $0x2  }
0x30: {  	p4 =	slt.u32 @!p3 s13, $0x4;
	s14 =	sshrl.u32 s14, $0x1;
	s12 =	smul.u32 $0xFFFFFFE4, s0  }
0x31: {  	p4 =	por p4, p3;
	s3 =	sadd.s32 s3, s14  }
0x32: {  	s13 =	sshrl.u32 s3, $0x2;
	s0 =	smul.u32 $0xFFF90000, s0;
	s12 =	sshra.s32 s12, $0x2  }
0x33: {  	s31 =	sshra.s32 @!p4 s29, $0x2;
	s3 =	smul.u32 $0xFFFFFFE4, s13;
	s14 =	sadd.s32 $0xB, s12  }
0x34: {  	s0 =	sshra.s32 s0, $0x2;
	s14 =	sadd.s32 @!p4 s31, s14  }
0x35: {  	s3 =	sshra.s32 s3, $0x2;
	s12 =	sadd.s32 $0x4, s12;
	_ =	swait.ge @!p4 [sflag:s14], $0x4000  }
0x36: {  	s0 =	sadd.s32 s0, s25;
	s31 =	sshra.s32 @!p3 s29, $0x2;
	[sflag:s14] =	ssyncset.done @!p4 $0x0  }
0x37: {  	s12 =	sadd.s32 @!p3 s31, s12;
	[sflag:s14] =	ssyncadd.s32 @!p4 $0xFFFFC000;
	s14 =	simm.s32 @!p3 $0x80  }
0x38: {  	[tilespmem:s0], [sflag:s12] =	stream.indirect.gather @!p3 [spmem:s1], $0x80, s26, s14, $0xb8;
	[tilespmem:$0x1D080] =	vst v63  }
0x39: {  	s31 =	sshra.s32 s29, $0x2;
	s12 =	sadd.s32 $0x1, s3  }
0x3a: {  	s14 =	smul.u32 $0xFFF90000, s13;
	s0 =	sadd.s32 s31, s12  }
0x3b: {  	s29 =	sadd.s32 $0x4, s29;
	s3 =	sadd.s32 $0x8, s3;
	_ =	swait.ge [sflag:s0], $0x4000  }
0x3c: {  	s12 =	sshra.s32 s14, $0x2;
	s14 =	sadd.s32 s31, s3;
	s31 =	rddreg [dreg:$0x5]  }
0x3d: {  	p3 =	sne.s32 s31, s29  }
.Ltmp0:
0x3e: {  	_ = 	snop;
	(pc) =	sbr.rel @p3 .LBB2_2-.Ltmp0, $4  }
0x3f: {  	s30 =	sadd.s32 $0x1, s30;
	s24 =	sadd.s32 $0x1, s24;
	[sflag:s0] =	ssyncset.done $0x0  }
0x40: {  	s25 =	sadd.s32 $0x4000, s25;
	s12 =	sadd.s32 s12, s23;
	[sflag:s0] =	ssyncadd.s32 $0xFFFFC000  }
0x41: {  	[hbm4b:s28+s2] =	stream.linear.scatter [tilespmem:s12], [sflag:s14], $0x4000, $0x38;
	[tilespmem:$0x1D080] =	vst v63  }
0x42: {  	s26 =	sadd.s32 $0x80, s26;
	s23 =	sadd.s32 $0x4000, s23;
	s28 =	sadd.s32 $0x800, s28  }
0x43: {  	_ =	swait.ge [sflag:s15], $0x4000  }
0x44: {  	[sflag:s15] =	ssyncset.done $0x0  }
0x45: {  	[sflag:s15] =	ssyncadd.s32 $0xFFFFC000  }
0x46: {  	_ =	swait.ge [sflag:s16], $0x4000  }
0x47: {  	[sflag:s16] =	ssyncset.done $0x0  }
0x48: {  	[sflag:s16] =	ssyncadd.s32 $0xFFFFC000  }
0x49: {  	_ =	swait.ge [sflag:s17], $0x4000  }
0x4a: {  	[sflag:s17] =	ssyncset.done $0x0  }
0x4b: {  	[sflag:s17] =	ssyncadd.s32 $0xFFFFC000  }
0x4c: {  	_ =	swait.ge [sflag:s18], $0x4000  }
0x4d: {  	[sflag:s18] =	ssyncset.done $0x0  }
0x4e: {  	[sflag:s18] =	ssyncadd.s32 $0xFFFFC000  }
0x4f: {  	_ =	swait.ge [sflag:s19], $0x4000  }
0x50: {  	[sflag:s19] =	ssyncset.done $0x0  }
0x51: {  	[sflag:s19] =	ssyncadd.s32 $0xFFFFC000  }
0x52: {  	_ =	swait.ge [sflag:s20], $0x4000  }
0x53: {  	[sflag:s20] =	ssyncset.done $0x0  }
0x54: {  	[sflag:s20] =	ssyncadd.s32 $0xFFFFC000  }
0x55: {  	_ =	swait.ge [sflag:s21], $0x4000  }
0x56: {  	s0 =	simm.s32 @!p2 $0x20;
	[sflag:s21] =	ssyncset.done $0x0  }
0x57: {  	s3 =	simm.s32 @!p2 $0xB80;
	s12 =	simm.s32 @!p2 $0xC80;
	[sflag:s21] =	ssyncadd.s32 $0xFFFFC000  }
0x58: {  	[tilespmem:s12], [sflag:$0x1] =	stream.indirect.gather @!p2 [spmem:s1], $0x80, s3, s0, $0xb8;
	[tilespmem:$0x1D080] =	vst v63  }
0x59: {  	s0 =	simm.s32 @!p2 $0x1  }
0x5a: {  	_ =	swait.ge @!p2 [sflag:s0], $0x1000  }
0x5b: {  	s22 =	sadd.s32 $0x1, s22;
	[sflag:s0] =	ssyncset.done @!p2 $0x0  }
0x5c: {  	p3 =	sne.s32 s22, s8;
	[sflag:s0] =	ssyncadd.s32 @!p2 $0xFFFFF000;
	s0 =	simm.s32 @!p2 $0x0  }
0x5d: {  	[hbm4b:s7+s0] =	stream.linear.scatter @!p2 [tilespmem:s12], [sflag:$0xF], $0x1000, $0x38;
	[tilespmem:$0x1D080] =	vst v63  }
.Ltmp1:
0x5e: {  	_ = 	snop;
	(pc) =	sbr.rel @p3 .LBB2_1-.Ltmp1, $4  }
0x5f: {  	s0 =	simm.s32 @!p2 $0xF  }
0x60: {  	_ =	swait.ge @!p2 [sflag:s0], $0x1000  }
0x61: {  	[sflag:s0] =	ssyncset.done @!p2 $0x0  }
0x62: {  	[sflag:s0] =	ssyncadd.s32 @!p2 $0xFFFFF000  }
0x63: {  	_ =	sfence.sel $0x180000  }
0x64: {  	[bflag:$0x0] =	sbarrier.arrive $0xFFFF  }
0x65: {  	_ =	strace $0x90000047  }
0x66: {  	[bflag:$0x2] =	sbarrier.arrive $0xFFFF  }
0x67: {  	s0 =	rddreg [dreg:$0x4]  }
0x68: {  	s0 =	sadd.s32 @!p1 $0x100000, s0  }
0x69: {  	[sflag:s0] =	ssyncadd.tile.s32 @!p1 $0x1;
	_ =	shalt  }
.Lfunc_end2:
_tile_overlayer_lowered:
.L_overlay_start_2:
0x6a: {  	(tag) =	ssettag $0x2  }
0x6b: {  	s0 =	rddreg [dreg:$0x0];
	s2 =	stileid.u32  }
0x6c: {  	s1 =	rddreg [dreg:$0x1];
	p0 =	sne.s32 s2, $0x0  }
0x6d: {  	s3 =	rddreg [dreg:$0x2];
	[bflag:$0x3] =	sbarrier.arrive $0xFFFF;
	s2 =	simm.s32 @!p0 $0x1C0F  }
0x6e: {  	[timem:s3], [sflag:s2] =	dma.local @!p0 [hbm:s0], s1  }
0x6f: {  	s0 =	simm.s32 @!p0 $0xF  }
0x70: {  	_ =	swait.ge @!p0 [sflag:s0], s1  }
0x71: {  	s1 =	ssub.s32 @!p0 $0x0, s1;
	[sflag:s0] =	ssyncset.done @!p0 $0x0  }
0x72: {  	[sflag:s0] =	ssyncadd.s32 @!p0 s1  }
0x73: {  	[bflag:$0x3] =	sbarrier.arrive $0xFFFF  }
0x74: {  	_ =	shalt  }

</sc_bundles>
